<compile_context>
chip_gen: v7x
topology: tpu7x:2x2x1
jax: 0.10.2.dev20260603
libtpu: 0.0.44.dev20260713+nightly
codegen_flags: <defaults>
</compile_context>

<pallas_src>
import jax
import jax.numpy as jnp
from jax import lax
from jax.experimental import pallas as pl
from jax.experimental.pallas import tpu as pltpu
from jax.experimental.pallas import tpu_sc as plsc

_NUM_CORES = 2
_NUM_SUBCORES = 16
_LANES = 16

_BATCH = 16384
_FACTORS = 32
_N_ROWS = 100000
_HALF = _BATCH // _NUM_CORES
_SLICE = _HALF // _NUM_SUBCORES
_CHUNK = 128
_N_CHUNKS = _HALF // _CHUNK
_PHASE = _N_CHUNKS // 2
_GPC = _CHUNK // _LANES
_B_CHUNKS = _SLICE // _CHUNK


def _sc_body(users_hbm, movies_hbm, uf_hbm, mf_hbm, ub_hbm, mb_hbm, gb_hbm,
             out_hbm, u_half, m_half, guf1, guf2, gmf1, gmf2, ub_g, mb_g,
             acc_v, red_buf, gb_v, out_v, shared, semab, semb, semc):
    c = lax.axis_index("c")
    s = lax.axis_index("s")
    base = c * _HALF
    f1 = 2 * s
    f2 = f1 + 1
    sbase = s * _SLICE

    pltpu.sync_copy(users_hbm.at[pl.ds(base, _HALF)], u_half)
    pltpu.sync_copy(movies_hbm.at[pl.ds(base, _HALF)], m_half)
    pltpu.sync_copy(gb_hbm, gb_v)

    def uchunk(ch):
        return u_half.at[pl.ds(ch * _CHUNK, _CHUNK)]

    def mchunk(ch):
        return m_half.at[pl.ds(ch * _CHUNK, _CHUNK)]

    def fire_chunk(ch, sem):
        pltpu.async_copy(uf_hbm.at[f1].at[uchunk(ch)], guf1.at[ch], sem)
        pltpu.async_copy(uf_hbm.at[f2].at[uchunk(ch)], guf2.at[ch], sem)
        pltpu.async_copy(mf_hbm.at[f1].at[mchunk(ch)], gmf1.at[ch], sem)
        pltpu.async_copy(mf_hbm.at[f2].at[mchunk(ch)], gmf2.at[ch], sem)

    def drain_chunk(ch, sem):
        pltpu.make_async_copy(uf_hbm.at[f1].at[uchunk(ch)], guf1.at[ch], sem).wait()
        pltpu.make_async_copy(uf_hbm.at[f2].at[uchunk(ch)], guf2.at[ch], sem).wait()
        pltpu.make_async_copy(mf_hbm.at[f1].at[mchunk(ch)], gmf1.at[ch], sem).wait()
        pltpu.make_async_copy(mf_hbm.at[f2].at[mchunk(ch)], gmf2.at[ch], sem).wait()

    def prod_chunk(ch):
        for gg in range(_GPC):
            co = pl.ds(gg * _LANES, _LANES)
            p = guf1[ch, co] * gmf1[ch, co] + guf2[ch, co] * gmf2[ch, co]
            acc_v[pl.ds(ch * _CHUNK + gg * _LANES, _LANES)] = p

    def fire_a(ch, carry):
        fire_chunk(ch, semab)
        return carry

    def fire_b(ch, carry):
        fire_chunk(ch, semb)
        return carry

    lax.fori_loop(0, _PHASE, fire_a, 0)

    bias_d = []
    for ch in range(_B_CHUNKS):
        bias_d.append(pltpu.async_copy(
            ub_hbm.at[u_half.at[pl.ds(sbase + ch * _CHUNK, _CHUNK)]],
            ub_g.at[ch], semc))
        bias_d.append(pltpu.async_copy(
            mb_hbm.at[m_half.at[pl.ds(sbase + ch * _CHUNK, _CHUNK)]],
            mb_g.at[ch], semc))

    lax.fori_loop(_PHASE, _N_CHUNKS, fire_b, 0)

    def drain_prod_a(ch, carry):
        drain_chunk(ch, semab)
        prod_chunk(ch)
        return carry

    def drain_prod_b(ch, carry):
        drain_chunk(ch, semb)
        prod_chunk(ch)
        return carry

    lax.fori_loop(0, _PHASE, drain_prod_a, 0)
    lax.fori_loop(_PHASE, _N_CHUNKS, drain_prod_b, 0)

    pltpu.sync_copy(acc_v, shared.at[s])
    plsc.subcore_barrier()

    for t in range(_NUM_SUBCORES):
        pltpu.sync_copy(shared.at[t, pl.ds(sbase, _SLICE)], red_buf.at[t])
    for d in bias_d:
        d.wait()

    gb16 = gb_v[...]

    def red(g, carry):
        r = lax.shift_right_logical(g, 3)
        co = pl.ds(lax.shift_left(jnp.bitwise_and(g, 7), 4), _LANES)
        sl = pl.ds(g * _LANES, _LANES)
        acc = red_buf[0, sl]
        for t in range(1, _NUM_SUBCORES):
            acc = acc + red_buf[t, sl]
        acc = acc + ub_g[r, co] + mb_g[r, co] + gb16
        out_v[sl] = acc
        return carry

    lax.fori_loop(0, _SLICE // _LANES, red, 0)

    pltpu.sync_copy(out_v, out_hbm.at[pl.ds(base + sbase, _SLICE)])


@jax.jit
def _run(users, movies, uf2d, mf2d, ub, mb, gb16):
    mesh = plsc.VectorSubcoreMesh(core_axis_name="c", subcore_axis_name="s")
    f = pl.kernel(
        _sc_body,
        out_type=jax.ShapeDtypeStruct((_BATCH,), jnp.float32),
        mesh=mesh,
        scratch_types=[
            pltpu.VMEM((_HALF,), jnp.int32),
            pltpu.VMEM((_HALF,), jnp.int32),
            pltpu.VMEM((_N_CHUNKS, _CHUNK), jnp.float32),
            pltpu.VMEM((_N_CHUNKS, _CHUNK), jnp.float32),
            pltpu.VMEM((_N_CHUNKS, _CHUNK), jnp.float32),
            pltpu.VMEM((_N_CHUNKS, _CHUNK), jnp.float32),
            pltpu.VMEM((_B_CHUNKS, _CHUNK), jnp.float32),
            pltpu.VMEM((_B_CHUNKS, _CHUNK), jnp.float32),
            pltpu.VMEM((_HALF,), jnp.float32),
            pltpu.VMEM((_NUM_SUBCORES, _SLICE), jnp.float32),
            pltpu.VMEM((_LANES,), jnp.float32),
            pltpu.VMEM((_SLICE,), jnp.float32),
            pltpu.VMEM_SHARED((_NUM_SUBCORES, _HALF), jnp.float32),
            pltpu.SemaphoreType.DMA,
            pltpu.SemaphoreType.DMA,
            pltpu.SemaphoreType.DMA,
        ],
        compiler_params=pltpu.CompilerParams(
            needs_layout_passes=False, use_tc_tiling_on_sc=False),
    )
    return f(users, movies, uf2d, mf2d, ub, mb, gb16)


def kernel(data, user_factors, movie_factors, user_bias, movie_bias,
           global_bias):
    users = data[:, 0]
    movies = data[:, 1]
    uf2d = user_factors.T[:, :_N_ROWS]
    mf2d = movie_factors.T
    ub = user_bias[:_N_ROWS, 0]
    mb = movie_bias[:, 0]
    gb16 = jnp.broadcast_to(global_bias.astype(jnp.float32), (_LANES,))
    return _run(users, movies, uf2d, mf2d, ub, mb, gb16)

# --- scband reference (transcript-rebuilt; emitter-appended) ---
"""Pipeline reference for scband-movie-ratings-model-48911087567197 (READ-ONLY COPY).

The authoritative reference and input builder live on the scoring server;
editing this copy changes nothing except your own understanding.
"""

import jax, jax.numpy as jnp
import numpy as np

NUM_USERS = 1000000
NUM_MOVIES = 100000
NUM_FACTORS = 32
BATCH = 16384

def setup_inputs(seed: int = 0) -> dict:
    key = jax.random.key(seed)
    k1, k2, k3, k4, k5, k6 = jax.random.split(key, 6)
    data = jax.random.randint(k1, (BATCH, 2), 0, NUM_MOVIES, dtype=jnp.int64 if jax.config.jax_enable_x64 else jnp.int32).astype(jnp.int32)
    user_factors = jax.random.uniform(k2, (NUM_USERS, NUM_FACTORS), dtype=jnp.float32, minval=0.0, maxval=0.05)
    movie_factors = jax.random.uniform(k3, (NUM_MOVIES, NUM_FACTORS), dtype=jnp.float32, minval=0.0, maxval=0.05)
    user_bias = jax.random.uniform(k4, (NUM_USERS, 1), dtype=jnp.float32, minval=0.0, maxval=0.05)
    movie_bias = jax.random.uniform(k5, (NUM_MOVIES, 1), dtype=jnp.float32, minval=0.0, maxval=0.05)
    global_bias = jax.random.uniform(k6, (1,), dtype=jnp.float32, minval=0.0, maxval=0.05)
    return {
        "data": data,
        "user_factors": user_factors,
        "movie_factors": movie_factors,
        "user_bias": user_bias,
        "movie_bias": movie_bias,
        "global_bias": global_bias,
    }

def reference(data, user_factors, movie_factors, user_bias, movie_bias, global_bias):
    users = data[:, 0]
    movies = data[:, 1]
    uf = jnp.take(user_factors, users, axis=0)
    mf = jnp.take(movie_factors, movies, axis=0)
    dot = (uf * mf).sum(1)
    ub = jnp.take(user_bias, users, axis=0).squeeze(-1)
    mb = jnp.take(movie_bias, movies, axis=0).squeeze(-1)
    return dot + ub + mb + global_bias

if __name__ == "__main__":
    import jax
    _d = setup_inputs()
    print(jax.jit(kernel)(*tuple(_d.values())))

</pallas_src>

<mosaic_0001>
#map = affine_map<(d0, d1) -> (0)>
#map1 = affine_map<(d0, d1) -> (0, 0)>
module attributes {stable_mosaic.version = 14 : i64} {
  func.func @_sc_body(%arg0: i32, %arg1: i32, %arg2: memref<16384xi32, #tpu.memory_space<hbm>>, %arg3: memref<16384xi32, #tpu.memory_space<hbm>>, %arg4: memref<32x100000xf32, #tpu.memory_space<hbm>>, %arg5: memref<32x100000xf32, #tpu.memory_space<hbm>>, %arg6: memref<100000xf32, #tpu.memory_space<hbm>>, %arg7: memref<100000xf32, #tpu.memory_space<hbm>>, %arg8: memref<16xf32, #tpu.memory_space<hbm>>, %arg9: memref<16384xf32, #tpu.memory_space<hbm>>, %arg10: memref<8192xi32, #tpu.memory_space<vmem>>, %arg11: memref<8192xi32, #tpu.memory_space<vmem>>, %arg12: memref<64x128xf32, #tpu.memory_space<vmem>>, %arg13: memref<64x128xf32, #tpu.memory_space<vmem>>, %arg14: memref<64x128xf32, #tpu.memory_space<vmem>>, %arg15: memref<64x128xf32, #tpu.memory_space<vmem>>, %arg16: memref<4x128xf32, #tpu.memory_space<vmem>>, %arg17: memref<4x128xf32, #tpu.memory_space<vmem>>, %arg18: memref<8192xf32, #tpu.memory_space<vmem>>, %arg19: memref<16x512xf32, #tpu.memory_space<vmem>>, %arg20: memref<16xf32, #tpu.memory_space<vmem>>, %arg21: memref<512xf32, #tpu.memory_space<vmem>>, %arg22: memref<16x8192xf32, #tpu.memory_space<vmem_shared>>, %arg23: memref<!tpu.dma_semaphore, #tpu.memory_space<semaphore_mem>>, %arg24: memref<!tpu.dma_semaphore, #tpu.memory_space<semaphore_mem>>, %arg25: memref<!tpu.dma_semaphore, #tpu.memory_space<semaphore_mem>>) attributes {dimension_semantics = [#tpu.dimension_semantics<core_parallel>, #tpu.dimension_semantics<subcore_parallel>], iteration_bounds = array<i64: 2, 16>, scalar_prefetch = 0 : i64, scratch_operands = 16 : i64, tpu.core_type = #tpu.core_type<sc_vector_subcore>, window_params = [{transform_indices = #map}, {transform_indices = #map}, {transform_indices = #map1}, {transform_indices = #map1}, {transform_indices = #map}, {transform_indices = #map}, {transform_indices = #map}, {transform_indices = #map}]} {
    %mul3A = arith.constant 8192 : i32
    %mul3A_0 = arith.muli %arg0, %mul3A : i32
    %mul3A_1 = arith.constant 2 : i32
    %mul3A_2 = arith.muli %mul3A_1, %arg1 : i32
    %add3A = arith.constant 1 : i32
    %add3A_3 = arith.addi %mul3A_2, %add3A : i32
    %mul3A_4 = arith.constant 512 : i32
    %mul3A_5 = arith.muli %arg1, %mul3A_4 : i32
    "tpu.region"() ({
      %run_scoped3A_194 = tpu.sem_alloc : memref<!tpu.dma_semaphore, #tpu.memory_space<semaphore_mem>>
      %dma_start3A_195 = tpu.memref_slice %arg2[%mul3A_0] : memref<16384xi32, #tpu.memory_space<hbm>> -> memref<8192xi32, #tpu.memory_space<hbm>>
      %dma_start3A_196 = tpu.memref_slice %arg2[%mul3A_0] : memref<16384xi32, #tpu.memory_space<hbm>> -> memref<8192xi32, #tpu.memory_space<hbm>>
      tpu.enqueue_dma source(%dma_start3A_196 : memref<8192xi32, #tpu.memory_space<hbm>>) target(%arg10 : memref<8192xi32, #tpu.memory_space<vmem>>) target_semaphore(%run_scoped3A_194 : memref<!tpu.dma_semaphore, #tpu.memory_space<semaphore_mem>>)
      %dma_wait3A_197 = tpu.memref_slice %arg2[%mul3A_0] : memref<16384xi32, #tpu.memory_space<hbm>> -> memref<8192xi32, #tpu.memory_space<hbm>>
      %dma_wait3A_198 = tpu.memref_slice %arg2[%mul3A_0] : memref<16384xi32, #tpu.memory_space<hbm>> -> memref<8192xi32, #tpu.memory_space<hbm>>
      tpu.wait_dma2 semaphore(%run_scoped3A_194 : memref<!tpu.dma_semaphore, #tpu.memory_space<semaphore_mem>>) src(%dma_wait3A_198 : memref<8192xi32, #tpu.memory_space<hbm>>) dst(%arg10 : memref<8192xi32, #tpu.memory_space<vmem>>)
      tpu.yield
    }) : () -> ()
    "tpu.region"() ({
      %run_scoped3A_194 = tpu.sem_alloc : memref<!tpu.dma_semaphore, #tpu.memory_space<semaphore_mem>>
      %dma_start3A_195 = tpu.memref_slice %arg3[%mul3A_0] : memref<16384xi32, #tpu.memory_space<hbm>> -> memref<8192xi32, #tpu.memory_space<hbm>>
      %dma_start3A_196 = tpu.memref_slice %arg3[%mul3A_0] : memref<16384xi32, #tpu.memory_space<hbm>> -> memref<8192xi32, #tpu.memory_space<hbm>>
      tpu.enqueue_dma source(%dma_start3A_196 : memref<8192xi32, #tpu.memory_space<hbm>>) target(%arg11 : memref<8192xi32, #tpu.memory_space<vmem>>) target_semaphore(%run_scoped3A_194 : memref<!tpu.dma_semaphore, #tpu.memory_space<semaphore_mem>>)
      %dma_wait3A_197 = tpu.memref_slice %arg3[%mul3A_0] : memref<16384xi32, #tpu.memory_space<hbm>> -> memref<8192xi32, #tpu.memory_space<hbm>>
      %dma_wait3A_198 = tpu.memref_slice %arg3[%mul3A_0] : memref<16384xi32, #tpu.memory_space<hbm>> -> memref<8192xi32, #tpu.memory_space<hbm>>
      tpu.wait_dma2 semaphore(%run_scoped3A_194 : memref<!tpu.dma_semaphore, #tpu.memory_space<semaphore_mem>>) src(%dma_wait3A_198 : memref<8192xi32, #tpu.memory_space<hbm>>) dst(%arg11 : memref<8192xi32, #tpu.memory_space<vmem>>)
      tpu.yield
    }) : () -> ()
    "tpu.region"() ({
      %run_scoped3A_194 = tpu.sem_alloc : memref<!tpu.dma_semaphore, #tpu.memory_space<semaphore_mem>>
      tpu.enqueue_dma source(%arg8 : memref<16xf32, #tpu.memory_space<hbm>>) target(%arg20 : memref<16xf32, #tpu.memory_space<vmem>>) target_semaphore(%run_scoped3A_194 : memref<!tpu.dma_semaphore, #tpu.memory_space<semaphore_mem>>)
      tpu.wait_dma2 semaphore(%run_scoped3A_194 : memref<!tpu.dma_semaphore, #tpu.memory_space<semaphore_mem>>) src(%arg8 : memref<16xf32, #tpu.memory_space<hbm>>) dst(%arg20 : memref<16xf32, #tpu.memory_space<vmem>>)
      tpu.yield
    }) : () -> ()
    %scan3A = arith.constant 0 : i32
    %scan3A_6 = arith.constant 0 : i32
    %scan3A_7 = arith.constant 32 : i32
    %scan3A_8 = arith.addi %scan3A_6, %scan3A_7 : i32
    %scan3A_9 = arith.constant 1 : i32
    scf.for %scan3A_194 = %scan3A_6 to %scan3A_8 step %scan3A_9  : i32 {
      %mul3A_195 = arith.constant 128 : i32
      %mul3A_196 = arith.muli %scan3A_194, %mul3A_195 : i32
      %dma_start3A_197 = arith.constant 0 : i32
      %dma_start3A_198 = tpu.memref_slice %arg12[%scan3A_194, %dma_start3A_197] : memref<64x128xf32, #tpu.memory_space<vmem>> -> memref<1x128xf32, #tpu.memory_space<vmem>>
      %dma_start3A_199 = tpu.memref_squeeze %dma_start3A_198 : memref<1x128xf32, #tpu.memory_space<vmem>> -> memref<128xf32, #tpu.memory_space<vmem>>
      %dma_start3A_200 = tpu.memref_slice %arg10[%mul3A_196] : memref<8192xi32, #tpu.memory_space<vmem>> -> memref<128xi32, #tpu.memory_space<vmem>>
      %dma_start3A_201 = arith.constant 0 : i32
      %dma_start3A_202 = tpu.memref_slice %arg4[%mul3A_2, %dma_start3A_201] : memref<32x100000xf32, #tpu.memory_space<hbm>> -> memref<1x100000xf32, #tpu.memory_space<hbm>>
      %dma_start3A_203 = tpu.memref_squeeze %dma_start3A_202 : memref<1x100000xf32, #tpu.memory_space<hbm>> -> memref<100000xf32, #tpu.memory_space<hbm>>
      %dma_start3A_204 = arith.constant 0 : i32
      %dma_start3A_205 = tpu.memref_slice %dma_start3A_203[%dma_start3A_204] : memref<100000xf32, #tpu.memory_space<hbm>> -> memref<100000xf32, #tpu.memory_space<hbm>>
      tpu.enqueue_indirect_dma source(%dma_start3A_205 : memref<100000xf32, #tpu.memory_space<hbm>>) target(%dma_start3A_199 : memref<128xf32, #tpu.memory_space<vmem>>) offsets(%dma_start3A_200 : memref<128xi32, #tpu.memory_space<vmem>>) semaphore(%arg23 : memref<!tpu.dma_semaphore, #tpu.memory_space<semaphore_mem>>)
      %mul3A_206 = arith.constant 128 : i32
      %mul3A_207 = arith.muli %scan3A_194, %mul3A_206 : i32
      %dma_start3A_208 = arith.constant 0 : i32
      %dma_start3A_209 = tpu.memref_slice %arg13[%scan3A_194, %dma_start3A_208] : memref<64x128xf32, #tpu.memory_space<vmem>> -> memref<1x128xf32, #tpu.memory_space<vmem>>
      %dma_start3A_210 = tpu.memref_squeeze %dma_start3A_209 : memref<1x128xf32, #tpu.memory_space<vmem>> -> memref<128xf32, #tpu.memory_space<vmem>>
      %dma_start3A_211 = tpu.memref_slice %arg10[%mul3A_207] : memref<8192xi32, #tpu.memory_space<vmem>> -> memref<128xi32, #tpu.memory_space<vmem>>
      %dma_start3A_212 = arith.constant 0 : i32
      %dma_start3A_213 = tpu.memref_slice %arg4[%add3A_3, %dma_start3A_212] : memref<32x100000xf32, #tpu.memory_space<hbm>> -> memref<1x100000xf32, #tpu.memory_space<hbm>>
      %dma_start3A_214 = tpu.memref_squeeze %dma_start3A_213 : memref<1x100000xf32, #tpu.memory_space<hbm>> -> memref<100000xf32, #tpu.memory_space<hbm>>
      %dma_start3A_215 = arith.constant 0 : i32
      %dma_start3A_216 = tpu.memref_slice %dma_start3A_214[%dma_start3A_215] : memref<100000xf32, #tpu.memory_space<hbm>> -> memref<100000xf32, #tpu.memory_space<hbm>>
      tpu.enqueue_indirect_dma source(%dma_start3A_216 : memref<100000xf32, #tpu.memory_space<hbm>>) target(%dma_start3A_210 : memref<128xf32, #tpu.memory_space<vmem>>) offsets(%dma_start3A_211 : memref<128xi32, #tpu.memory_space<vmem>>) semaphore(%arg23 : memref<!tpu.dma_semaphore, #tpu.memory_space<semaphore_mem>>)
      %mul3A_217 = arith.constant 128 : i32
      %mul3A_218 = arith.muli %scan3A_194, %mul3A_217 : i32
      %dma_start3A_219 = arith.constant 0 : i32
      %dma_start3A_220 = tpu.memref_slice %arg14[%scan3A_194, %dma_start3A_219] : memref<64x128xf32, #tpu.memory_space<vmem>> -> memref<1x128xf32, #tpu.memory_space<vmem>>
      %dma_start3A_221 = tpu.memref_squeeze %dma_start3A_220 : memref<1x128xf32, #tpu.memory_space<vmem>> -> memref<128xf32, #tpu.memory_space<vmem>>
      %dma_start3A_222 = tpu.memref_slice %arg11[%mul3A_218] : memref<8192xi32, #tpu.memory_space<vmem>> -> memref<128xi32, #tpu.memory_space<vmem>>
      %dma_start3A_223 = arith.constant 0 : i32
      %dma_start3A_224 = tpu.memref_slice %arg5[%mul3A_2, %dma_start3A_223] : memref<32x100000xf32, #tpu.memory_space<hbm>> -> memref<1x100000xf32, #tpu.memory_space<hbm>>
      %dma_start3A_225 = tpu.memref_squeeze %dma_start3A_224 : memref<1x100000xf32, #tpu.memory_space<hbm>> -> memref<100000xf32, #tpu.memory_space<hbm>>
      %dma_start3A_226 = arith.constant 0 : i32
      %dma_start3A_227 = tpu.memref_slice %dma_start3A_225[%dma_start3A_226] : memref<100000xf32, #tpu.memory_space<hbm>> -> memref<100000xf32, #tpu.memory_space<hbm>>
      tpu.enqueue_indirect_dma source(%dma_start3A_227 : memref<100000xf32, #tpu.memory_space<hbm>>) target(%dma_start3A_221 : memref<128xf32, #tpu.memory_space<vmem>>) offsets(%dma_start3A_222 : memref<128xi32, #tpu.memory_space<vmem>>) semaphore(%arg23 : memref<!tpu.dma_semaphore, #tpu.memory_space<semaphore_mem>>)
      %mul3A_228 = arith.constant 128 : i32
      %mul3A_229 = arith.muli %scan3A_194, %mul3A_228 : i32
      %dma_start3A_230 = arith.constant 0 : i32
      %dma_start3A_231 = tpu.memref_slice %arg15[%scan3A_194, %dma_start3A_230] : memref<64x128xf32, #tpu.memory_space<vmem>> -> memref<1x128xf32, #tpu.memory_space<vmem>>
      %dma_start3A_232 = tpu.memref_squeeze %dma_start3A_231 : memref<1x128xf32, #tpu.memory_space<vmem>> -> memref<128xf32, #tpu.memory_space<vmem>>
      %dma_start3A_233 = tpu.memref_slice %arg11[%mul3A_229] : memref<8192xi32, #tpu.memory_space<vmem>> -> memref<128xi32, #tpu.memory_space<vmem>>
      %dma_start3A_234 = arith.constant 0 : i32
      %dma_start3A_235 = tpu.memref_slice %arg5[%add3A_3, %dma_start3A_234] : memref<32x100000xf32, #tpu.memory_space<hbm>> -> memref<1x100000xf32, #tpu.memory_space<hbm>>
      %dma_start3A_236 = tpu.memref_squeeze %dma_start3A_235 : memref<1x100000xf32, #tpu.memory_space<hbm>> -> memref<100000xf32, #tpu.memory_space<hbm>>
      %dma_start3A_237 = arith.constant 0 : i32
      %dma_start3A_238 = tpu.memref_slice %dma_start3A_236[%dma_start3A_237] : memref<100000xf32, #tpu.memory_space<hbm>> -> memref<100000xf32, #tpu.memory_space<hbm>>
      tpu.enqueue_indirect_dma source(%dma_start3A_238 : memref<100000xf32, #tpu.memory_space<hbm>>) target(%dma_start3A_232 : memref<128xf32, #tpu.memory_space<vmem>>) offsets(%dma_start3A_233 : memref<128xi32, #tpu.memory_space<vmem>>) semaphore(%arg23 : memref<!tpu.dma_semaphore, #tpu.memory_space<semaphore_mem>>)
    }
    %scan3A_10 = arith.constant 32 : i32
    %add3A_11 = arith.constant 0 : i32
    %add3A_12 = arith.addi %mul3A_5, %add3A_11 : i32
    %dma_start3A = arith.constant 0 : i32
    %dma_start3A_13 = arith.constant 0 : i32
    %dma_start3A_14 = tpu.memref_slice %arg16[%dma_start3A, %dma_start3A_13] : memref<4x128xf32, #tpu.memory_space<vmem>> -> memref<1x128xf32, #tpu.memory_space<vmem>>
    %dma_start3A_15 = tpu.memref_squeeze %dma_start3A_14 : memref<1x128xf32, #tpu.memory_space<vmem>> -> memref<128xf32, #tpu.memory_space<vmem>>
    %dma_start3A_16 = tpu.memref_slice %arg10[%add3A_12] : memref<8192xi32, #tpu.memory_space<vmem>> -> memref<128xi32, #tpu.memory_space<vmem>>
    %dma_start3A_17 = arith.constant 0 : i32
    %dma_start3A_18 = tpu.memref_slice %arg6[%dma_start3A_17] : memref<100000xf32, #tpu.memory_space<hbm>> -> memref<100000xf32, #tpu.memory_space<hbm>>
    tpu.enqueue_indirect_dma source(%dma_start3A_18 : memref<100000xf32, #tpu.memory_space<hbm>>) target(%dma_start3A_15 : memref<128xf32, #tpu.memory_space<vmem>>) offsets(%dma_start3A_16 : memref<128xi32, #tpu.memory_space<vmem>>) semaphore(%arg25 : memref<!tpu.dma_semaphore, #tpu.memory_space<semaphore_mem>>)
    %add3A_19 = arith.constant 0 : i32
    %add3A_20 = arith.addi %mul3A_5, %add3A_19 : i32
    %dma_start3A_21 = arith.constant 0 : i32
    %dma_start3A_22 = arith.constant 0 : i32
    %dma_start3A_23 = tpu.memref_slice %arg17[%dma_start3A_21, %dma_start3A_22] : memref<4x128xf32, #tpu.memory_space<vmem>> -> memref<1x128xf32, #tpu.memory_space<vmem>>
    %dma_start3A_24 = tpu.memref_squeeze %dma_start3A_23 : memref<1x128xf32, #tpu.memory_space<vmem>> -> memref<128xf32, #tpu.memory_space<vmem>>
    %dma_start3A_25 = tpu.memref_slice %arg11[%add3A_20] : memref<8192xi32, #tpu.memory_space<vmem>> -> memref<128xi32, #tpu.memory_space<vmem>>
    %dma_start3A_26 = arith.constant 0 : i32
    %dma_start3A_27 = tpu.memref_slice %arg7[%dma_start3A_26] : memref<100000xf32, #tpu.memory_space<hbm>> -> memref<100000xf32, #tpu.memory_space<hbm>>
    tpu.enqueue_indirect_dma source(%dma_start3A_27 : memref<100000xf32, #tpu.memory_space<hbm>>) target(%dma_start3A_24 : memref<128xf32, #tpu.memory_space<vmem>>) offsets(%dma_start3A_25 : memref<128xi32, #tpu.memory_space<vmem>>) semaphore(%arg25 : memref<!tpu.dma_semaphore, #tpu.memory_space<semaphore_mem>>)
    %add3A_28 = arith.constant 128 : i32
    %add3A_29 = arith.addi %mul3A_5, %add3A_28 : i32
    %dma_start3A_30 = arith.constant 1 : i32
    %dma_start3A_31 = arith.constant 0 : i32
    %dma_start3A_32 = tpu.memref_slice %arg16[%dma_start3A_30, %dma_start3A_31] : memref<4x128xf32, #tpu.memory_space<vmem>> -> memref<1x128xf32, #tpu.memory_space<vmem>>
    %dma_start3A_33 = tpu.memref_squeeze %dma_start3A_32 : memref<1x128xf32, #tpu.memory_space<vmem>> -> memref<128xf32, #tpu.memory_space<vmem>>
    %dma_start3A_34 = tpu.memref_slice %arg10[%add3A_29] : memref<8192xi32, #tpu.memory_space<vmem>> -> memref<128xi32, #tpu.memory_space<vmem>>
    %dma_start3A_35 = arith.constant 0 : i32
    %dma_start3A_36 = tpu.memref_slice %arg6[%dma_start3A_35] : memref<100000xf32, #tpu.memory_space<hbm>> -> memref<100000xf32, #tpu.memory_space<hbm>>
    tpu.enqueue_indirect_dma source(%dma_start3A_36 : memref<100000xf32, #tpu.memory_space<hbm>>) target(%dma_start3A_33 : memref<128xf32, #tpu.memory_space<vmem>>) offsets(%dma_start3A_34 : memref<128xi32, #tpu.memory_space<vmem>>) semaphore(%arg25 : memref<!tpu.dma_semaphore, #tpu.memory_space<semaphore_mem>>)
    %add3A_37 = arith.constant 128 : i32
    %add3A_38 = arith.addi %mul3A_5, %add3A_37 : i32
    %dma_start3A_39 = arith.constant 1 : i32
    %dma_start3A_40 = arith.constant 0 : i32
    %dma_start3A_41 = tpu.memref_slice %arg17[%dma_start3A_39, %dma_start3A_40] : memref<4x128xf32, #tpu.memory_space<vmem>> -> memref<1x128xf32, #tpu.memory_space<vmem>>
    %dma_start3A_42 = tpu.memref_squeeze %dma_start3A_41 : memref<1x128xf32, #tpu.memory_space<vmem>> -> memref<128xf32, #tpu.memory_space<vmem>>
    %dma_start3A_43 = tpu.memref_slice %arg11[%add3A_38] : memref<8192xi32, #tpu.memory_space<vmem>> -> memref<128xi32, #tpu.memory_space<vmem>>
    %dma_start3A_44 = arith.constant 0 : i32
    %dma_start3A_45 = tpu.memref_slice %arg7[%dma_start3A_44] : memref<100000xf32, #tpu.memory_space<hbm>> -> memref<100000xf32, #tpu.memory_space<hbm>>
    tpu.enqueue_indirect_dma source(%dma_start3A_45 : memref<100000xf32, #tpu.memory_space<hbm>>) target(%dma_start3A_42 : memref<128xf32, #tpu.memory_space<vmem>>) offsets(%dma_start3A_43 : memref<128xi32, #tpu.memory_space<vmem>>) semaphore(%arg25 : memref<!tpu.dma_semaphore, #tpu.memory_space<semaphore_mem>>)
    %add3A_46 = arith.constant 256 : i32
    %add3A_47 = arith.addi %mul3A_5, %add3A_46 : i32
    %dma_start3A_48 = arith.constant 2 : i32
    %dma_start3A_49 = arith.constant 0 : i32
    %dma_start3A_50 = tpu.memref_slice %arg16[%dma_start3A_48, %dma_start3A_49] : memref<4x128xf32, #tpu.memory_space<vmem>> -> memref<1x128xf32, #tpu.memory_space<vmem>>
    %dma_start3A_51 = tpu.memref_squeeze %dma_start3A_50 : memref<1x128xf32, #tpu.memory_space<vmem>> -> memref<128xf32, #tpu.memory_space<vmem>>
    %dma_start3A_52 = tpu.memref_slice %arg10[%add3A_47] : memref<8192xi32, #tpu.memory_space<vmem>> -> memref<128xi32, #tpu.memory_space<vmem>>
    %dma_start3A_53 = arith.constant 0 : i32
    %dma_start3A_54 = tpu.memref_slice %arg6[%dma_start3A_53] : memref<100000xf32, #tpu.memory_space<hbm>> -> memref<100000xf32, #tpu.memory_space<hbm>>
    tpu.enqueue_indirect_dma source(%dma_start3A_54 : memref<100000xf32, #tpu.memory_space<hbm>>) target(%dma_start3A_51 : memref<128xf32, #tpu.memory_space<vmem>>) offsets(%dma_start3A_52 : memref<128xi32, #tpu.memory_space<vmem>>) semaphore(%arg25 : memref<!tpu.dma_semaphore, #tpu.memory_space<semaphore_mem>>)
    %add3A_55 = arith.constant 256 : i32
    %add3A_56 = arith.addi %mul3A_5, %add3A_55 : i32
    %dma_start3A_57 = arith.constant 2 : i32
    %dma_start3A_58 = arith.constant 0 : i32
    %dma_start3A_59 = tpu.memref_slice %arg17[%dma_start3A_57, %dma_start3A_58] : memref<4x128xf32, #tpu.memory_space<vmem>> -> memref<1x128xf32, #tpu.memory_space<vmem>>
    %dma_start3A_60 = tpu.memref_squeeze %dma_start3A_59 : memref<1x128xf32, #tpu.memory_space<vmem>> -> memref<128xf32, #tpu.memory_space<vmem>>
    %dma_start3A_61 = tpu.memref_slice %arg11[%add3A_56] : memref<8192xi32, #tpu.memory_space<vmem>> -> memref<128xi32, #tpu.memory_space<vmem>>
    %dma_start3A_62 = arith.constant 0 : i32
    %dma_start3A_63 = tpu.memref_slice %arg7[%dma_start3A_62] : memref<100000xf32, #tpu.memory_space<hbm>> -> memref<100000xf32, #tpu.memory_space<hbm>>
    tpu.enqueue_indirect_dma source(%dma_start3A_63 : memref<100000xf32, #tpu.memory_space<hbm>>) target(%dma_start3A_60 : memref<128xf32, #tpu.memory_space<vmem>>) offsets(%dma_start3A_61 : memref<128xi32, #tpu.memory_space<vmem>>) semaphore(%arg25 : memref<!tpu.dma_semaphore, #tpu.memory_space<semaphore_mem>>)
    %add3A_64 = arith.constant 384 : i32
    %add3A_65 = arith.addi %mul3A_5, %add3A_64 : i32
    %dma_start3A_66 = arith.constant 3 : i32
    %dma_start3A_67 = arith.constant 0 : i32
    %dma_start3A_68 = tpu.memref_slice %arg16[%dma_start3A_66, %dma_start3A_67] : memref<4x128xf32, #tpu.memory_space<vmem>> -> memref<1x128xf32, #tpu.memory_space<vmem>>
    %dma_start3A_69 = tpu.memref_squeeze %dma_start3A_68 : memref<1x128xf32, #tpu.memory_space<vmem>> -> memref<128xf32, #tpu.memory_space<vmem>>
    %dma_start3A_70 = tpu.memref_slice %arg10[%add3A_65] : memref<8192xi32, #tpu.memory_space<vmem>> -> memref<128xi32, #tpu.memory_space<vmem>>
    %dma_start3A_71 = arith.constant 0 : i32
    %dma_start3A_72 = tpu.memref_slice %arg6[%dma_start3A_71] : memref<100000xf32, #tpu.memory_space<hbm>> -> memref<100000xf32, #tpu.memory_space<hbm>>
    tpu.enqueue_indirect_dma source(%dma_start3A_72 : memref<100000xf32, #tpu.memory_space<hbm>>) target(%dma_start3A_69 : memref<128xf32, #tpu.memory_space<vmem>>) offsets(%dma_start3A_70 : memref<128xi32, #tpu.memory_space<vmem>>) semaphore(%arg25 : memref<!tpu.dma_semaphore, #tpu.memory_space<semaphore_mem>>)
    %add3A_73 = arith.constant 384 : i32
    %add3A_74 = arith.addi %mul3A_5, %add3A_73 : i32
    %dma_start3A_75 = arith.constant 3 : i32
    %dma_start3A_76 = arith.constant 0 : i32
    %dma_start3A_77 = tpu.memref_slice %arg17[%dma_start3A_75, %dma_start3A_76] : memref<4x128xf32, #tpu.memory_space<vmem>> -> memref<1x128xf32, #tpu.memory_space<vmem>>
    %dma_start3A_78 = tpu.memref_squeeze %dma_start3A_77 : memref<1x128xf32, #tpu.memory_space<vmem>> -> memref<128xf32, #tpu.memory_space<vmem>>
    %dma_start3A_79 = tpu.memref_slice %arg11[%add3A_74] : memref<8192xi32, #tpu.memory_space<vmem>> -> memref<128xi32, #tpu.memory_space<vmem>>
    %dma_start3A_80 = arith.constant 0 : i32
    %dma_start3A_81 = tpu.memref_slice %arg7[%dma_start3A_80] : memref<100000xf32, #tpu.memory_space<hbm>> -> memref<100000xf32, #tpu.memory_space<hbm>>
    tpu.enqueue_indirect_dma source(%dma_start3A_81 : memref<100000xf32, #tpu.memory_space<hbm>>) target(%dma_start3A_78 : memref<128xf32, #tpu.memory_space<vmem>>) offsets(%dma_start3A_79 : memref<128xi32, #tpu.memory_space<vmem>>) semaphore(%arg25 : memref<!tpu.dma_semaphore, #tpu.memory_space<semaphore_mem>>)
    %scan3A_82 = arith.constant 0 : i32
    %scan3A_83 = arith.constant 32 : i32
    %scan3A_84 = arith.constant 32 : i32
    %scan3A_85 = arith.addi %scan3A_83, %scan3A_84 : i32
    %scan3A_86 = arith.constant 1 : i32
    scf.for %scan3A_194 = %scan3A_83 to %scan3A_85 step %scan3A_86  : i32 {
      %mul3A_195 = arith.constant 128 : i32
      %mul3A_196 = arith.muli %scan3A_194, %mul3A_195 : i32
      %dma_start3A_197 = arith.constant 0 : i32
      %dma_start3A_198 = tpu.memref_slice %arg12[%scan3A_194, %dma_start3A_197] : memref<64x128xf32, #tpu.memory_space<vmem>> -> memref<1x128xf32, #tpu.memory_space<vmem>>
      %dma_start3A_199 = tpu.memref_squeeze %dma_start3A_198 : memref<1x128xf32, #tpu.memory_space<vmem>> -> memref<128xf32, #tpu.memory_space<vmem>>
      %dma_start3A_200 = tpu.memref_slice %arg10[%mul3A_196] : memref<8192xi32, #tpu.memory_space<vmem>> -> memref<128xi32, #tpu.memory_space<vmem>>
      %dma_start3A_201 = arith.constant 0 : i32
      %dma_start3A_202 = tpu.memref_slice %arg4[%mul3A_2, %dma_start3A_201] : memref<32x100000xf32, #tpu.memory_space<hbm>> -> memref<1x100000xf32, #tpu.memory_space<hbm>>
      %dma_start3A_203 = tpu.memref_squeeze %dma_start3A_202 : memref<1x100000xf32, #tpu.memory_space<hbm>> -> memref<100000xf32, #tpu.memory_space<hbm>>
      %dma_start3A_204 = arith.constant 0 : i32
      %dma_start3A_205 = tpu.memref_slice %dma_start3A_203[%dma_start3A_204] : memref<100000xf32, #tpu.memory_space<hbm>> -> memref<100000xf32, #tpu.memory_space<hbm>>
      tpu.enqueue_indirect_dma source(%dma_start3A_205 : memref<100000xf32, #tpu.memory_space<hbm>>) target(%dma_start3A_199 : memref<128xf32, #tpu.memory_space<vmem>>) offsets(%dma_start3A_200 : memref<128xi32, #tpu.memory_space<vmem>>) semaphore(%arg24 : memref<!tpu.dma_semaphore, #tpu.memory_space<semaphore_mem>>)
      %mul3A_206 = arith.constant 128 : i32
      %mul3A_207 = arith.muli %scan3A_194, %mul3A_206 : i32
      %dma_start3A_208 = arith.constant 0 : i32
      %dma_start3A_209 = tpu.memref_slice %arg13[%scan3A_194, %dma_start3A_208] : memref<64x128xf32, #tpu.memory_space<vmem>> -> memref<1x128xf32, #tpu.memory_space<vmem>>
      %dma_start3A_210 = tpu.memref_squeeze %dma_start3A_209 : memref<1x128xf32, #tpu.memory_space<vmem>> -> memref<128xf32, #tpu.memory_space<vmem>>
      %dma_start3A_211 = tpu.memref_slice %arg10[%mul3A_207] : memref<8192xi32, #tpu.memory_space<vmem>> -> memref<128xi32, #tpu.memory_space<vmem>>
      %dma_start3A_212 = arith.constant 0 : i32
      %dma_start3A_213 = tpu.memref_slice %arg4[%add3A_3, %dma_start3A_212] : memref<32x100000xf32, #tpu.memory_space<hbm>> -> memref<1x100000xf32, #tpu.memory_space<hbm>>
      %dma_start3A_214 = tpu.memref_squeeze %dma_start3A_213 : memref<1x100000xf32, #tpu.memory_space<hbm>> -> memref<100000xf32, #tpu.memory_space<hbm>>
      %dma_start3A_215 = arith.constant 0 : i32
      %dma_start3A_216 = tpu.memref_slice %dma_start3A_214[%dma_start3A_215] : memref<100000xf32, #tpu.memory_space<hbm>> -> memref<100000xf32, #tpu.memory_space<hbm>>
      tpu.enqueue_indirect_dma source(%dma_start3A_216 : memref<100000xf32, #tpu.memory_space<hbm>>) target(%dma_start3A_210 : memref<128xf32, #tpu.memory_space<vmem>>) offsets(%dma_start3A_211 : memref<128xi32, #tpu.memory_space<vmem>>) semaphore(%arg24 : memref<!tpu.dma_semaphore, #tpu.memory_space<semaphore_mem>>)
      %mul3A_217 = arith.constant 128 : i32
      %mul3A_218 = arith.muli %scan3A_194, %mul3A_217 : i32
      %dma_start3A_219 = arith.constant 0 : i32
      %dma_start3A_220 = tpu.memref_slice %arg14[%scan3A_194, %dma_start3A_219] : memref<64x128xf32, #tpu.memory_space<vmem>> -> memref<1x128xf32, #tpu.memory_space<vmem>>
      %dma_start3A_221 = tpu.memref_squeeze %dma_start3A_220 : memref<1x128xf32, #tpu.memory_space<vmem>> -> memref<128xf32, #tpu.memory_space<vmem>>
      %dma_start3A_222 = tpu.memref_slice %arg11[%mul3A_218] : memref<8192xi32, #tpu.memory_space<vmem>> -> memref<128xi32, #tpu.memory_space<vmem>>
      %dma_start3A_223 = arith.constant 0 : i32
      %dma_start3A_224 = tpu.memref_slice %arg5[%mul3A_2, %dma_start3A_223] : memref<32x100000xf32, #tpu.memory_space<hbm>> -> memref<1x100000xf32, #tpu.memory_space<hbm>>
      %dma_start3A_225 = tpu.memref_squeeze %dma_start3A_224 : memref<1x100000xf32, #tpu.memory_space<hbm>> -> memref<100000xf32, #tpu.memory_space<hbm>>
      %dma_start3A_226 = arith.constant 0 : i32
      %dma_start3A_227 = tpu.memref_slice %dma_start3A_225[%dma_start3A_226] : memref<100000xf32, #tpu.memory_space<hbm>> -> memref<100000xf32, #tpu.memory_space<hbm>>
      tpu.enqueue_indirect_dma source(%dma_start3A_227 : memref<100000xf32, #tpu.memory_space<hbm>>) target(%dma_start3A_221 : memref<128xf32, #tpu.memory_space<vmem>>) offsets(%dma_start3A_222 : memref<128xi32, #tpu.memory_space<vmem>>) semaphore(%arg24 : memref<!tpu.dma_semaphore, #tpu.memory_space<semaphore_mem>>)
      %mul3A_228 = arith.constant 128 : i32
      %mul3A_229 = arith.muli %scan3A_194, %mul3A_228 : i32
      %dma_start3A_230 = arith.constant 0 : i32
      %dma_start3A_231 = tpu.memref_slice %arg15[%scan3A_194, %dma_start3A_230] : memref<64x128xf32, #tpu.memory_space<vmem>> -> memref<1x128xf32, #tpu.memory_space<vmem>>
      %dma_start3A_232 = tpu.memref_squeeze %dma_start3A_231 : memref<1x128xf32, #tpu.memory_space<vmem>> -> memref<128xf32, #tpu.memory_space<vmem>>
      %dma_start3A_233 = tpu.memref_slice %arg11[%mul3A_229] : memref<8192xi32, #tpu.memory_space<vmem>> -> memref<128xi32, #tpu.memory_space<vmem>>
      %dma_start3A_234 = arith.constant 0 : i32
      %dma_start3A_235 = tpu.memref_slice %arg5[%add3A_3, %dma_start3A_234] : memref<32x100000xf32, #tpu.memory_space<hbm>> -> memref<1x100000xf32, #tpu.memory_space<hbm>>
      %dma_start3A_236 = tpu.memref_squeeze %dma_start3A_235 : memref<1x100000xf32, #tpu.memory_space<hbm>> -> memref<100000xf32, #tpu.memory_space<hbm>>
      %dma_start3A_237 = arith.constant 0 : i32
      %dma_start3A_238 = tpu.memref_slice %dma_start3A_236[%dma_start3A_237] : memref<100000xf32, #tpu.memory_space<hbm>> -> memref<100000xf32, #tpu.memory_space<hbm>>
      tpu.enqueue_indirect_dma source(%dma_start3A_238 : memref<100000xf32, #tpu.memory_space<hbm>>) target(%dma_start3A_232 : memref<128xf32, #tpu.memory_space<vmem>>) offsets(%dma_start3A_233 : memref<128xi32, #tpu.memory_space<vmem>>) semaphore(%arg24 : memref<!tpu.dma_semaphore, #tpu.memory_space<semaphore_mem>>)
    }
    %scan3A_87 = arith.constant 32 : i32
    %scan3A_88 = arith.constant 0 : i32
    %scan3A_89 = arith.constant 0 : i32
    %scan3A_90 = arith.constant 32 : i32
    %scan3A_91 = arith.addi %scan3A_89, %scan3A_90 : i32
    %scan3A_92 = arith.constant 1 : i32
    scf.for %scan3A_194 = %scan3A_89 to %scan3A_91 step %scan3A_92  : i32 {
      %mul3A_195 = arith.constant 128 : i32
      %mul3A_196 = arith.muli %scan3A_194, %mul3A_195 : i32
      %dma_wait3A_197 = arith.constant 0 : i32
      %dma_wait3A_198 = tpu.memref_slice %arg12[%scan3A_194, %dma_wait3A_197] : memref<64x128xf32, #tpu.memory_space<vmem>> -> memref<1x128xf32, #tpu.memory_space<vmem>>
      %dma_wait3A_199 = tpu.memref_squeeze %dma_wait3A_198 : memref<1x128xf32, #tpu.memory_space<vmem>> -> memref<128xf32, #tpu.memory_space<vmem>>
      %dma_wait3A_200 = tpu.memref_slice %arg10[%mul3A_196] : memref<8192xi32, #tpu.memory_space<vmem>> -> memref<128xi32, #tpu.memory_space<vmem>>
      %dma_wait3A_201 = arith.constant 0 : i32
      %dma_wait3A_202 = tpu.memref_slice %arg4[%mul3A_2, %dma_wait3A_201] : memref<32x100000xf32, #tpu.memory_space<hbm>> -> memref<1x100000xf32, #tpu.memory_space<hbm>>
      %dma_wait3A_203 = tpu.memref_squeeze %dma_wait3A_202 : memref<1x100000xf32, #tpu.memory_space<hbm>> -> memref<100000xf32, #tpu.memory_space<hbm>>
      %dma_wait3A_204 = arith.constant 0 : i32
      %dma_wait3A_205 = tpu.memref_slice %dma_wait3A_203[%dma_wait3A_204] : memref<100000xf32, #tpu.memory_space<hbm>> -> memref<100000xf32, #tpu.memory_space<hbm>>
      tpu.wait_indirect_dma semaphore(%arg23 : memref<!tpu.dma_semaphore, #tpu.memory_space<semaphore_mem>>) src(%dma_wait3A_205 : memref<100000xf32, #tpu.memory_space<hbm>>) dst(%dma_wait3A_199 : memref<128xf32, #tpu.memory_space<vmem>>)
      %mul3A_206 = arith.constant 128 : i32
      %mul3A_207 = arith.muli %scan3A_194, %mul3A_206 : i32
      %dma_wait3A_208 = arith.constant 0 : i32
      %dma_wait3A_209 = tpu.memref_slice %arg13[%scan3A_194, %dma_wait3A_208] : memref<64x128xf32, #tpu.memory_space<vmem>> -> memref<1x128xf32, #tpu.memory_space<vmem>>
      %dma_wait3A_210 = tpu.memref_squeeze %dma_wait3A_209 : memref<1x128xf32, #tpu.memory_space<vmem>> -> memref<128xf32, #tpu.memory_space<vmem>>
      %dma_wait3A_211 = tpu.memref_slice %arg10[%mul3A_207] : memref<8192xi32, #tpu.memory_space<vmem>> -> memref<128xi32, #tpu.memory_space<vmem>>
      %dma_wait3A_212 = arith.constant 0 : i32
      %dma_wait3A_213 = tpu.memref_slice %arg4[%add3A_3, %dma_wait3A_212] : memref<32x100000xf32, #tpu.memory_space<hbm>> -> memref<1x100000xf32, #tpu.memory_space<hbm>>
      %dma_wait3A_214 = tpu.memref_squeeze %dma_wait3A_213 : memref<1x100000xf32, #tpu.memory_space<hbm>> -> memref<100000xf32, #tpu.memory_space<hbm>>
      %dma_wait3A_215 = arith.constant 0 : i32
      %dma_wait3A_216 = tpu.memref_slice %dma_wait3A_214[%dma_wait3A_215] : memref<100000xf32, #tpu.memory_space<hbm>> -> memref<100000xf32, #tpu.memory_space<hbm>>
      tpu.wait_indirect_dma semaphore(%arg23 : memref<!tpu.dma_semaphore, #tpu.memory_space<semaphore_mem>>) src(%dma_wait3A_216 : memref<100000xf32, #tpu.memory_space<hbm>>) dst(%dma_wait3A_210 : memref<128xf32, #tpu.memory_space<vmem>>)
      %mul3A_217 = arith.constant 128 : i32
      %mul3A_218 = arith.muli %scan3A_194, %mul3A_217 : i32
      %dma_wait3A_219 = arith.constant 0 : i32
      %dma_wait3A_220 = tpu.memref_slice %arg14[%scan3A_194, %dma_wait3A_219] : memref<64x128xf32, #tpu.memory_space<vmem>> -> memref<1x128xf32, #tpu.memory_space<vmem>>
      %dma_wait3A_221 = tpu.memref_squeeze %dma_wait3A_220 : memref<1x128xf32, #tpu.memory_space<vmem>> -> memref<128xf32, #tpu.memory_space<vmem>>
      %dma_wait3A_222 = tpu.memref_slice %arg11[%mul3A_218] : memref<8192xi32, #tpu.memory_space<vmem>> -> memref<128xi32, #tpu.memory_space<vmem>>
      %dma_wait3A_223 = arith.constant 0 : i32
      %dma_wait3A_224 = tpu.memref_slice %arg5[%mul3A_2, %dma_wait3A_223] : memref<32x100000xf32, #tpu.memory_space<hbm>> -> memref<1x100000xf32, #tpu.memory_space<hbm>>
      %dma_wait3A_225 = tpu.memref_squeeze %dma_wait3A_224 : memref<1x100000xf32, #tpu.memory_space<hbm>> -> memref<100000xf32, #tpu.memory_space<hbm>>
      %dma_wait3A_226 = arith.constant 0 : i32
      %dma_wait3A_227 = tpu.memref_slice %dma_wait3A_225[%dma_wait3A_226] : memref<100000xf32, #tpu.memory_space<hbm>> -> memref<100000xf32, #tpu.memory_space<hbm>>
      tpu.wait_indirect_dma semaphore(%arg23 : memref<!tpu.dma_semaphore, #tpu.memory_space<semaphore_mem>>) src(%dma_wait3A_227 : memref<100000xf32, #tpu.memory_space<hbm>>) dst(%dma_wait3A_221 : memref<128xf32, #tpu.memory_space<vmem>>)
      %mul3A_228 = arith.constant 128 : i32
      %mul3A_229 = arith.muli %scan3A_194, %mul3A_228 : i32
      %dma_wait3A_230 = arith.constant 0 : i32
      %dma_wait3A_231 = tpu.memref_slice %arg15[%scan3A_194, %dma_wait3A_230] : memref<64x128xf32, #tpu.memory_space<vmem>> -> memref<1x128xf32, #tpu.memory_space<vmem>>
      %dma_wait3A_232 = tpu.memref_squeeze %dma_wait3A_231 : memref<1x128xf32, #tpu.memory_space<vmem>> -> memref<128xf32, #tpu.memory_space<vmem>>
      %dma_wait3A_233 = tpu.memref_slice %arg11[%mul3A_229] : memref<8192xi32, #tpu.memory_space<vmem>> -> memref<128xi32, #tpu.memory_space<vmem>>
      %dma_wait3A_234 = arith.constant 0 : i32
      %dma_wait3A_235 = tpu.memref_slice %arg5[%add3A_3, %dma_wait3A_234] : memref<32x100000xf32, #tpu.memory_space<hbm>> -> memref<1x100000xf32, #tpu.memory_space<hbm>>
      %dma_wait3A_236 = tpu.memref_squeeze %dma_wait3A_235 : memref<1x100000xf32, #tpu.memory_space<hbm>> -> memref<100000xf32, #tpu.memory_space<hbm>>
      %dma_wait3A_237 = arith.constant 0 : i32
      %dma_wait3A_238 = tpu.memref_slice %dma_wait3A_236[%dma_wait3A_237] : memref<100000xf32, #tpu.memory_space<hbm>> -> memref<100000xf32, #tpu.memory_space<hbm>>
      tpu.wait_indirect_dma semaphore(%arg23 : memref<!tpu.dma_semaphore, #tpu.memory_space<semaphore_mem>>) src(%dma_wait3A_238 : memref<100000xf32, #tpu.memory_space<hbm>>) dst(%dma_wait3A_232 : memref<128xf32, #tpu.memory_space<vmem>>)
      %get3A_239 = arith.index_cast %scan3A_194 : i32 to index
      %get3A_240 = arith.constant 0 : index
      %get3A_241 = tpu.vector_load %arg12[%get3A_239, %get3A_240] {strides = array<i32>} : memref<64x128xf32, #tpu.memory_space<vmem>>, vector<16xf32>,
      %get3A_242 = arith.index_cast %scan3A_194 : i32 to index
      %get3A_243 = arith.constant 0 : index
      %get3A_244 = tpu.vector_load %arg14[%get3A_242, %get3A_243] {strides = array<i32>} : memref<64x128xf32, #tpu.memory_space<vmem>>, vector<16xf32>,
      %mul3A_245 = arith.mulf %get3A_241, %get3A_244 : vector<16xf32>
      %get3A_246 = arith.index_cast %scan3A_194 : i32 to index
      %get3A_247 = arith.constant 0 : index
      %get3A_248 = tpu.vector_load %arg13[%get3A_246, %get3A_247] {strides = array<i32>} : memref<64x128xf32, #tpu.memory_space<vmem>>, vector<16xf32>,
      %get3A_249 = arith.index_cast %scan3A_194 : i32 to index
      %get3A_250 = arith.constant 0 : index
      %get3A_251 = tpu.vector_load %arg15[%get3A_249, %get3A_250] {strides = array<i32>} : memref<64x128xf32, #tpu.memory_space<vmem>>, vector<16xf32>,
      %mul3A_252 = arith.mulf %get3A_248, %get3A_251 : vector<16xf32>
      %add3A_253 = arith.addf %mul3A_245, %mul3A_252 : vector<16xf32>
      %mul3A_254 = arith.constant 128 : i32
      %mul3A_255 = arith.muli %scan3A_194, %mul3A_254 : i32
      %add3A_256 = arith.constant 0 : i32
      %add3A_257 = arith.addi %mul3A_255, %add3A_256 : i32
      %swap3A = arith.index_cast %add3A_257 : i32 to index
      %swap3A_258 = tpu.vector_load %arg18[%swap3A] {strides = array<i32>} : memref<8192xf32, #tpu.memory_space<vmem>>, vector<16xf32>,
      tpu.vector_store %arg18[%swap3A], %add3A_253 {strides = array<i32>} : memref<8192xf32, #tpu.memory_space<vmem>>, vector<16xf32>,
      %get3A_259 = arith.index_cast %scan3A_194 : i32 to index
      %get3A_260 = arith.constant 16 : index
      %get3A_261 = tpu.vector_load %arg12[%get3A_259, %get3A_260] {strides = array<i32>} : memref<64x128xf32, #tpu.memory_space<vmem>>, vector<16xf32>,
      %get3A_262 = arith.index_cast %scan3A_194 : i32 to index
      %get3A_263 = arith.constant 16 : index
      %get3A_264 = tpu.vector_load %arg14[%get3A_262, %get3A_263] {strides = array<i32>} : memref<64x128xf32, #tpu.memory_space<vmem>>, vector<16xf32>,
      %mul3A_265 = arith.mulf %get3A_261, %get3A_264 : vector<16xf32>
      %get3A_266 = arith.index_cast %scan3A_194 : i32 to index
      %get3A_267 = arith.constant 16 : index
      %get3A_268 = tpu.vector_load %arg13[%get3A_266, %get3A_267] {strides = array<i32>} : memref<64x128xf32, #tpu.memory_space<vmem>>, vector<16xf32>,
      %get3A_269 = arith.index_cast %scan3A_194 : i32 to index
      %get3A_270 = arith.constant 16 : index
      %get3A_271 = tpu.vector_load %arg15[%get3A_269, %get3A_270] {strides = array<i32>} : memref<64x128xf32, #tpu.memory_space<vmem>>, vector<16xf32>,
      %mul3A_272 = arith.mulf %get3A_268, %get3A_271 : vector<16xf32>
      %add3A_273 = arith.addf %mul3A_265, %mul3A_272 : vector<16xf32>
      %mul3A_274 = arith.constant 128 : i32
      %mul3A_275 = arith.muli %scan3A_194, %mul3A_274 : i32
      %add3A_276 = arith.constant 16 : i32
      %add3A_277 = arith.addi %mul3A_275, %add3A_276 : i32
      %swap3A_278 = arith.index_cast %add3A_277 : i32 to index
      %swap3A_279 = tpu.vector_load %arg18[%swap3A_278] {strides = array<i32>} : memref<8192xf32, #tpu.memory_space<vmem>>, vector<16xf32>,
      tpu.vector_store %arg18[%swap3A_278], %add3A_273 {strides = array<i32>} : memref<8192xf32, #tpu.memory_space<vmem>>, vector<16xf32>,
      %get3A_280 = arith.index_cast %scan3A_194 : i32 to index
      %get3A_281 = arith.constant 32 : index
      %get3A_282 = tpu.vector_load %arg12[%get3A_280, %get3A_281] {strides = array<i32>} : memref<64x128xf32, #tpu.memory_space<vmem>>, vector<16xf32>,
      %get3A_283 = arith.index_cast %scan3A_194 : i32 to index
      %get3A_284 = arith.constant 32 : index
      %get3A_285 = tpu.vector_load %arg14[%get3A_283, %get3A_284] {strides = array<i32>} : memref<64x128xf32, #tpu.memory_space<vmem>>, vector<16xf32>,
      %mul3A_286 = arith.mulf %get3A_282, %get3A_285 : vector<16xf32>
      %get3A_287 = arith.index_cast %scan3A_194 : i32 to index
      %get3A_288 = arith.constant 32 : index
      %get3A_289 = tpu.vector_load %arg13[%get3A_287, %get3A_288] {strides = array<i32>} : memref<64x128xf32, #tpu.memory_space<vmem>>, vector<16xf32>,
      %get3A_290 = arith.index_cast %scan3A_194 : i32 to index
      %get3A_291 = arith.constant 32 : index
      %get3A_292 = tpu.vector_load %arg15[%get3A_290, %get3A_291] {strides = array<i32>} : memref<64x128xf32, #tpu.memory_space<vmem>>, vector<16xf32>,
      %mul3A_293 = arith.mulf %get3A_289, %get3A_292 : vector<16xf32>
      %add3A_294 = arith.addf %mul3A_286, %mul3A_293 : vector<16xf32>
      %mul3A_295 = arith.constant 128 : i32
      %mul3A_296 = arith.muli %scan3A_194, %mul3A_295 : i32
      %add3A_297 = arith.constant 32 : i32
      %add3A_298 = arith.addi %mul3A_296, %add3A_297 : i32
      %swap3A_299 = arith.index_cast %add3A_298 : i32 to index
      %swap3A_300 = tpu.vector_load %arg18[%swap3A_299] {strides = array<i32>} : memref<8192xf32, #tpu.memory_space<vmem>>, vector<16xf32>,
      tpu.vector_store %arg18[%swap3A_299], %add3A_294 {strides = array<i32>} : memref<8192xf32, #tpu.memory_space<vmem>>, vector<16xf32>,
      %get3A_301 = arith.index_cast %scan3A_194 : i32 to index
      %get3A_302 = arith.constant 48 : index
      %get3A_303 = tpu.vector_load %arg12[%get3A_301, %get3A_302] {strides = array<i32>} : memref<64x128xf32, #tpu.memory_space<vmem>>, vector<16xf32>,
      %get3A_304 = arith.index_cast %scan3A_194 : i32 to index
      %get3A_305 = arith.constant 48 : index
      %get3A_306 = tpu.vector_load %arg14[%get3A_304, %get3A_305] {strides = array<i32>} : memref<64x128xf32, #tpu.memory_space<vmem>>, vector<16xf32>,
      %mul3A_307 = arith.mulf %get3A_303, %get3A_306 : vector<16xf32>
      %get3A_308 = arith.index_cast %scan3A_194 : i32 to index
      %get3A_309 = arith.constant 48 : index
      %get3A_310 = tpu.vector_load %arg13[%get3A_308, %get3A_309] {strides = array<i32>} : memref<64x128xf32, #tpu.memory_space<vmem>>, vector<16xf32>,
      %get3A_311 = arith.index_cast %scan3A_194 : i32 to index
      %get3A_312 = arith.constant 48 : index
      %get3A_313 = tpu.vector_load %arg15[%get3A_311, %get3A_312] {strides = array<i32>} : memref<64x128xf32, #tpu.memory_space<vmem>>, vector<16xf32>,
      %mul3A_314 = arith.mulf %get3A_310, %get3A_313 : vector<16xf32>
      %add3A_315 = arith.addf %mul3A_307, %mul3A_314 : vector<16xf32>
      %mul3A_316 = arith.constant 128 : i32
      %mul3A_317 = arith.muli %scan3A_194, %mul3A_316 : i32
      %add3A_318 = arith.constant 48 : i32
      %add3A_319 = arith.addi %mul3A_317, %add3A_318 : i32
      %swap3A_320 = arith.index_cast %add3A_319 : i32 to index
      %swap3A_321 = tpu.vector_load %arg18[%swap3A_320] {strides = array<i32>} : memref<8192xf32, #tpu.memory_space<vmem>>, vector<16xf32>,
      tpu.vector_store %arg18[%swap3A_320], %add3A_315 {strides = array<i32>} : memref<8192xf32, #tpu.memory_space<vmem>>, vector<16xf32>,
      %get3A_322 = arith.index_cast %scan3A_194 : i32 to index
      %get3A_323 = arith.constant 64 : index
      %get3A_324 = tpu.vector_load %arg12[%get3A_322, %get3A_323] {strides = array<i32>} : memref<64x128xf32, #tpu.memory_space<vmem>>, vector<16xf32>,
      %get3A_325 = arith.index_cast %scan3A_194 : i32 to index
      %get3A_326 = arith.constant 64 : index
      %get3A_327 = tpu.vector_load %arg14[%get3A_325, %get3A_326] {strides = array<i32>} : memref<64x128xf32, #tpu.memory_space<vmem>>, vector<16xf32>,
      %mul3A_328 = arith.mulf %get3A_324, %get3A_327 : vector<16xf32>
      %get3A_329 = arith.index_cast %scan3A_194 : i32 to index
      %get3A_330 = arith.constant 64 : index
      %get3A_331 = tpu.vector_load %arg13[%get3A_329, %get3A_330] {strides = array<i32>} : memref<64x128xf32, #tpu.memory_space<vmem>>, vector<16xf32>,
      %get3A_332 = arith.index_cast %scan3A_194 : i32 to index
      %get3A_333 = arith.constant 64 : index
      %get3A_334 = tpu.vector_load %arg15[%get3A_332, %get3A_333] {strides = array<i32>} : memref<64x128xf32, #tpu.memory_space<vmem>>, vector<16xf32>,
      %mul3A_335 = arith.mulf %get3A_331, %get3A_334 : vector<16xf32>
      %add3A_336 = arith.addf %mul3A_328, %mul3A_335 : vector<16xf32>
      %mul3A_337 = arith.constant 128 : i32
      %mul3A_338 = arith.muli %scan3A_194, %mul3A_337 : i32
      %add3A_339 = arith.constant 64 : i32
      %add3A_340 = arith.addi %mul3A_338, %add3A_339 : i32
      %swap3A_341 = arith.index_cast %add3A_340 : i32 to index
      %swap3A_342 = tpu.vector_load %arg18[%swap3A_341] {strides = array<i32>} : memref<8192xf32, #tpu.memory_space<vmem>>, vector<16xf32>,
      tpu.vector_store %arg18[%swap3A_341], %add3A_336 {strides = array<i32>} : memref<8192xf32, #tpu.memory_space<vmem>>, vector<16xf32>,
      %get3A_343 = arith.index_cast %scan3A_194 : i32 to index
      %get3A_344 = arith.constant 80 : index
      %get3A_345 = tpu.vector_load %arg12[%get3A_343, %get3A_344] {strides = array<i32>} : memref<64x128xf32, #tpu.memory_space<vmem>>, vector<16xf32>,
      %get3A_346 = arith.index_cast %scan3A_194 : i32 to index
      %get3A_347 = arith.constant 80 : index
      %get3A_348 = tpu.vector_load %arg14[%get3A_346, %get3A_347] {strides = array<i32>} : memref<64x128xf32, #tpu.memory_space<vmem>>, vector<16xf32>,
      %mul3A_349 = arith.mulf %get3A_345, %get3A_348 : vector<16xf32>
      %get3A_350 = arith.index_cast %scan3A_194 : i32 to index
      %get3A_351 = arith.constant 80 : index
      %get3A_352 = tpu.vector_load %arg13[%get3A_350, %get3A_351] {strides = array<i32>} : memref<64x128xf32, #tpu.memory_space<vmem>>, vector<16xf32>,
      %get3A_353 = arith.index_cast %scan3A_194 : i32 to index
      %get3A_354 = arith.constant 80 : index
      %get3A_355 = tpu.vector_load %arg15[%get3A_353, %get3A_354] {strides = array<i32>} : memref<64x128xf32, #tpu.memory_space<vmem>>, vector<16xf32>,
      %mul3A_356 = arith.mulf %get3A_352, %get3A_355 : vector<16xf32>
      %add3A_357 = arith.addf %mul3A_349, %mul3A_356 : vector<16xf32>
      %mul3A_358 = arith.constant 128 : i32
      %mul3A_359 = arith.muli %scan3A_194, %mul3A_358 : i32
      %add3A_360 = arith.constant 80 : i32
      %add3A_361 = arith.addi %mul3A_359, %add3A_360 : i32
      %swap3A_362 = arith.index_cast %add3A_361 : i32 to index
      %swap3A_363 = tpu.vector_load %arg18[%swap3A_362] {strides = array<i32>} : memref<8192xf32, #tpu.memory_space<vmem>>, vector<16xf32>,
      tpu.vector_store %arg18[%swap3A_362], %add3A_357 {strides = array<i32>} : memref<8192xf32, #tpu.memory_space<vmem>>, vector<16xf32>,
      %get3A_364 = arith.index_cast %scan3A_194 : i32 to index
      %get3A_365 = arith.constant 96 : index
      %get3A_366 = tpu.vector_load %arg12[%get3A_364, %get3A_365] {strides = array<i32>} : memref<64x128xf32, #tpu.memory_space<vmem>>, vector<16xf32>,
      %get3A_367 = arith.index_cast %scan3A_194 : i32 to index
      %get3A_368 = arith.constant 96 : index
      %get3A_369 = tpu.vector_load %arg14[%get3A_367, %get3A_368] {strides = array<i32>} : memref<64x128xf32, #tpu.memory_space<vmem>>, vector<16xf32>,
      %mul3A_370 = arith.mulf %get3A_366, %get3A_369 : vector<16xf32>
      %get3A_371 = arith.index_cast %scan3A_194 : i32 to index
      %get3A_372 = arith.constant 96 : index
      %get3A_373 = tpu.vector_load %arg13[%get3A_371, %get3A_372] {strides = array<i32>} : memref<64x128xf32, #tpu.memory_space<vmem>>, vector<16xf32>,
      %get3A_374 = arith.index_cast %scan3A_194 : i32 to index
      %get3A_375 = arith.constant 96 : index
      %get3A_376 = tpu.vector_load %arg15[%get3A_374, %get3A_375] {strides = array<i32>} : memref<64x128xf32, #tpu.memory_space<vmem>>, vector<16xf32>,
      %mul3A_377 = arith.mulf %get3A_373, %get3A_376 : vector<16xf32>
      %add3A_378 = arith.addf %mul3A_370, %mul3A_377 : vector<16xf32>
      %mul3A_379 = arith.constant 128 : i32
      %mul3A_380 = arith.muli %scan3A_194, %mul3A_379 : i32
      %add3A_381 = arith.constant 96 : i32
      %add3A_382 = arith.addi %mul3A_380, %add3A_381 : i32
      %swap3A_383 = arith.index_cast %add3A_382 : i32 to index
      %swap3A_384 = tpu.vector_load %arg18[%swap3A_383] {strides = array<i32>} : memref<8192xf32, #tpu.memory_space<vmem>>, vector<16xf32>,
      tpu.vector_store %arg18[%swap3A_383], %add3A_378 {strides = array<i32>} : memref<8192xf32, #tpu.memory_space<vmem>>, vector<16xf32>,
      %get3A_385 = arith.index_cast %scan3A_194 : i32 to index
      %get3A_386 = arith.constant 112 : index
      %get3A_387 = tpu.vector_load %arg12[%get3A_385, %get3A_386] {strides = array<i32>} : memref<64x128xf32, #tpu.memory_space<vmem>>, vector<16xf32>,
      %get3A_388 = arith.index_cast %scan3A_194 : i32 to index
      %get3A_389 = arith.constant 112 : index
      %get3A_390 = tpu.vector_load %arg14[%get3A_388, %get3A_389] {strides = array<i32>} : memref<64x128xf32, #tpu.memory_space<vmem>>, vector<16xf32>,
      %mul3A_391 = arith.mulf %get3A_387, %get3A_390 : vector<16xf32>
      %get3A_392 = arith.index_cast %scan3A_194 : i32 to index
      %get3A_393 = arith.constant 112 : index
      %get3A_394 = tpu.vector_load %arg13[%get3A_392, %get3A_393] {strides = array<i32>} : memref<64x128xf32, #tpu.memory_space<vmem>>, vector<16xf32>,
      %get3A_395 = arith.index_cast %scan3A_194 : i32 to index
      %get3A_396 = arith.constant 112 : index
      %get3A_397 = tpu.vector_load %arg15[%get3A_395, %get3A_396] {strides = array<i32>} : memref<64x128xf32, #tpu.memory_space<vmem>>, vector<16xf32>,
      %mul3A_398 = arith.mulf %get3A_394, %get3A_397 : vector<16xf32>
      %add3A_399 = arith.addf %mul3A_391, %mul3A_398 : vector<16xf32>
      %mul3A_400 = arith.constant 128 : i32
      %mul3A_401 = arith.muli %scan3A_194, %mul3A_400 : i32
      %add3A_402 = arith.constant 112 : i32
      %add3A_403 = arith.addi %mul3A_401, %add3A_402 : i32
      %swap3A_404 = arith.index_cast %add3A_403 : i32 to index
      %swap3A_405 = tpu.vector_load %arg18[%swap3A_404] {strides = array<i32>} : memref<8192xf32, #tpu.memory_space<vmem>>, vector<16xf32>,
      tpu.vector_store %arg18[%swap3A_404], %add3A_399 {strides = array<i32>} : memref<8192xf32, #tpu.memory_space<vmem>>, vector<16xf32>,
    }
    %scan3A_93 = arith.constant 32 : i32
    %scan3A_94 = arith.constant 0 : i32
    %scan3A_95 = arith.constant 32 : i32
    %scan3A_96 = arith.constant 32 : i32
    %scan3A_97 = arith.addi %scan3A_95, %scan3A_96 : i32
    %scan3A_98 = arith.constant 1 : i32
    scf.for %scan3A_194 = %scan3A_95 to %scan3A_97 step %scan3A_98  : i32 {
      %mul3A_195 = arith.constant 128 : i32
      %mul3A_196 = arith.muli %scan3A_194, %mul3A_195 : i32
      %dma_wait3A_197 = arith.constant 0 : i32
      %dma_wait3A_198 = tpu.memref_slice %arg12[%scan3A_194, %dma_wait3A_197] : memref<64x128xf32, #tpu.memory_space<vmem>> -> memref<1x128xf32, #tpu.memory_space<vmem>>
      %dma_wait3A_199 = tpu.memref_squeeze %dma_wait3A_198 : memref<1x128xf32, #tpu.memory_space<vmem>> -> memref<128xf32, #tpu.memory_space<vmem>>
      %dma_wait3A_200 = tpu.memref_slice %arg10[%mul3A_196] : memref<8192xi32, #tpu.memory_space<vmem>> -> memref<128xi32, #tpu.memory_space<vmem>>
      %dma_wait3A_201 = arith.constant 0 : i32
      %dma_wait3A_202 = tpu.memref_slice %arg4[%mul3A_2, %dma_wait3A_201] : memref<32x100000xf32, #tpu.memory_space<hbm>> -> memref<1x100000xf32, #tpu.memory_space<hbm>>
      %dma_wait3A_203 = tpu.memref_squeeze %dma_wait3A_202 : memref<1x100000xf32, #tpu.memory_space<hbm>> -> memref<100000xf32, #tpu.memory_space<hbm>>
      %dma_wait3A_204 = arith.constant 0 : i32
      %dma_wait3A_205 = tpu.memref_slice %dma_wait3A_203[%dma_wait3A_204] : memref<100000xf32, #tpu.memory_space<hbm>> -> memref<100000xf32, #tpu.memory_space<hbm>>
      tpu.wait_indirect_dma semaphore(%arg24 : memref<!tpu.dma_semaphore, #tpu.memory_space<semaphore_mem>>) src(%dma_wait3A_205 : memref<100000xf32, #tpu.memory_space<hbm>>) dst(%dma_wait3A_199 : memref<128xf32, #tpu.memory_space<vmem>>)
      %mul3A_206 = arith.constant 128 : i32
      %mul3A_207 = arith.muli %scan3A_194, %mul3A_206 : i32
      %dma_wait3A_208 = arith.constant 0 : i32
      %dma_wait3A_209 = tpu.memref_slice %arg13[%scan3A_194, %dma_wait3A_208] : memref<64x128xf32, #tpu.memory_space<vmem>> -> memref<1x128xf32, #tpu.memory_space<vmem>>
      %dma_wait3A_210 = tpu.memref_squeeze %dma_wait3A_209 : memref<1x128xf32, #tpu.memory_space<vmem>> -> memref<128xf32, #tpu.memory_space<vmem>>
      %dma_wait3A_211 = tpu.memref_slice %arg10[%mul3A_207] : memref<8192xi32, #tpu.memory_space<vmem>> -> memref<128xi32, #tpu.memory_space<vmem>>
      %dma_wait3A_212 = arith.constant 0 : i32
      %dma_wait3A_213 = tpu.memref_slice %arg4[%add3A_3, %dma_wait3A_212] : memref<32x100000xf32, #tpu.memory_space<hbm>> -> memref<1x100000xf32, #tpu.memory_space<hbm>>
      %dma_wait3A_214 = tpu.memref_squeeze %dma_wait3A_213 : memref<1x100000xf32, #tpu.memory_space<hbm>> -> memref<100000xf32, #tpu.memory_space<hbm>>
      %dma_wait3A_215 = arith.constant 0 : i32
      %dma_wait3A_216 = tpu.memref_slice %dma_wait3A_214[%dma_wait3A_215] : memref<100000xf32, #tpu.memory_space<hbm>> -> memref<100000xf32, #tpu.memory_space<hbm>>
      tpu.wait_indirect_dma semaphore(%arg24 : memref<!tpu.dma_semaphore, #tpu.memory_space<semaphore_mem>>) src(%dma_wait3A_216 : memref<100000xf32, #tpu.memory_space<hbm>>) dst(%dma_wait3A_210 : memref<128xf32, #tpu.memory_space<vmem>>)
      %mul3A_217 = arith.constant 128 : i32
      %mul3A_218 = arith.muli %scan3A_194, %mul3A_217 : i32
      %dma_wait3A_219 = arith.constant 0 : i32
      %dma_wait3A_220 = tpu.memref_slice %arg14[%scan3A_194, %dma_wait3A_219] : memref<64x128xf32, #tpu.memory_space<vmem>> -> memref<1x128xf32, #tpu.memory_space<vmem>>
      %dma_wait3A_221 = tpu.memref_squeeze %dma_wait3A_220 : memref<1x128xf32, #tpu.memory_space<vmem>> -> memref<128xf32, #tpu.memory_space<vmem>>
      %dma_wait3A_222 = tpu.memref_slice %arg11[%mul3A_218] : memref<8192xi32, #tpu.memory_space<vmem>> -> memref<128xi32, #tpu.memory_space<vmem>>
      %dma_wait3A_223 = arith.constant 0 : i32
      %dma_wait3A_224 = tpu.memref_slice %arg5[%mul3A_2, %dma_wait3A_223] : memref<32x100000xf32, #tpu.memory_space<hbm>> -> memref<1x100000xf32, #tpu.memory_space<hbm>>
      %dma_wait3A_225 = tpu.memref_squeeze %dma_wait3A_224 : memref<1x100000xf32, #tpu.memory_space<hbm>> -> memref<100000xf32, #tpu.memory_space<hbm>>
      %dma_wait3A_226 = arith.constant 0 : i32
      %dma_wait3A_227 = tpu.memref_slice %dma_wait3A_225[%dma_wait3A_226] : memref<100000xf32, #tpu.memory_space<hbm>> -> memref<100000xf32, #tpu.memory_space<hbm>>
      tpu.wait_indirect_dma semaphore(%arg24 : memref<!tpu.dma_semaphore, #tpu.memory_space<semaphore_mem>>) src(%dma_wait3A_227 : memref<100000xf32, #tpu.memory_space<hbm>>) dst(%dma_wait3A_221 : memref<128xf32, #tpu.memory_space<vmem>>)
      %mul3A_228 = arith.constant 128 : i32
      %mul3A_229 = arith.muli %scan3A_194, %mul3A_228 : i32
      %dma_wait3A_230 = arith.constant 0 : i32
      %dma_wait3A_231 = tpu.memref_slice %arg15[%scan3A_194, %dma_wait3A_230] : memref<64x128xf32, #tpu.memory_space<vmem>> -> memref<1x128xf32, #tpu.memory_space<vmem>>
      %dma_wait3A_232 = tpu.memref_squeeze %dma_wait3A_231 : memref<1x128xf32, #tpu.memory_space<vmem>> -> memref<128xf32, #tpu.memory_space<vmem>>
      %dma_wait3A_233 = tpu.memref_slice %arg11[%mul3A_229] : memref<8192xi32, #tpu.memory_space<vmem>> -> memref<128xi32, #tpu.memory_space<vmem>>
      %dma_wait3A_234 = arith.constant 0 : i32
      %dma_wait3A_235 = tpu.memref_slice %arg5[%add3A_3, %dma_wait3A_234] : memref<32x100000xf32, #tpu.memory_space<hbm>> -> memref<1x100000xf32, #tpu.memory_space<hbm>>
      %dma_wait3A_236 = tpu.memref_squeeze %dma_wait3A_235 : memref<1x100000xf32, #tpu.memory_space<hbm>> -> memref<100000xf32, #tpu.memory_space<hbm>>
      %dma_wait3A_237 = arith.constant 0 : i32
      %dma_wait3A_238 = tpu.memref_slice %dma_wait3A_236[%dma_wait3A_237] : memref<100000xf32, #tpu.memory_space<hbm>> -> memref<100000xf32, #tpu.memory_space<hbm>>
      tpu.wait_indirect_dma semaphore(%arg24 : memref<!tpu.dma_semaphore, #tpu.memory_space<semaphore_mem>>) src(%dma_wait3A_238 : memref<100000xf32, #tpu.memory_space<hbm>>) dst(%dma_wait3A_232 : memref<128xf32, #tpu.memory_space<vmem>>)
      %get3A_239 = arith.index_cast %scan3A_194 : i32 to index
      %get3A_240 = arith.constant 0 : index
      %get3A_241 = tpu.vector_load %arg12[%get3A_239, %get3A_240] {strides = array<i32>} : memref<64x128xf32, #tpu.memory_space<vmem>>, vector<16xf32>,
      %get3A_242 = arith.index_cast %scan3A_194 : i32 to index
      %get3A_243 = arith.constant 0 : index
      %get3A_244 = tpu.vector_load %arg14[%get3A_242, %get3A_243] {strides = array<i32>} : memref<64x128xf32, #tpu.memory_space<vmem>>, vector<16xf32>,
      %mul3A_245 = arith.mulf %get3A_241, %get3A_244 : vector<16xf32>
      %get3A_246 = arith.index_cast %scan3A_194 : i32 to index
      %get3A_247 = arith.constant 0 : index
      %get3A_248 = tpu.vector_load %arg13[%get3A_246, %get3A_247] {strides = array<i32>} : memref<64x128xf32, #tpu.memory_space<vmem>>, vector<16xf32>,
      %get3A_249 = arith.index_cast %scan3A_194 : i32 to index
      %get3A_250 = arith.constant 0 : index
      %get3A_251 = tpu.vector_load %arg15[%get3A_249, %get3A_250] {strides = array<i32>} : memref<64x128xf32, #tpu.memory_space<vmem>>, vector<16xf32>,
      %mul3A_252 = arith.mulf %get3A_248, %get3A_251 : vector<16xf32>
      %add3A_253 = arith.addf %mul3A_245, %mul3A_252 : vector<16xf32>
      %mul3A_254 = arith.constant 128 : i32
      %mul3A_255 = arith.muli %scan3A_194, %mul3A_254 : i32
      %add3A_256 = arith.constant 0 : i32
      %add3A_257 = arith.addi %mul3A_255, %add3A_256 : i32
      %swap3A = arith.index_cast %add3A_257 : i32 to index
      %swap3A_258 = tpu.vector_load %arg18[%swap3A] {strides = array<i32>} : memref<8192xf32, #tpu.memory_space<vmem>>, vector<16xf32>,
      tpu.vector_store %arg18[%swap3A], %add3A_253 {strides = array<i32>} : memref<8192xf32, #tpu.memory_space<vmem>>, vector<16xf32>,
      %get3A_259 = arith.index_cast %scan3A_194 : i32 to index
      %get3A_260 = arith.constant 16 : index
      %get3A_261 = tpu.vector_load %arg12[%get3A_259, %get3A_260] {strides = array<i32>} : memref<64x128xf32, #tpu.memory_space<vmem>>, vector<16xf32>,
      %get3A_262 = arith.index_cast %scan3A_194 : i32 to index
      %get3A_263 = arith.constant 16 : index
      %get3A_264 = tpu.vector_load %arg14[%get3A_262, %get3A_263] {strides = array<i32>} : memref<64x128xf32, #tpu.memory_space<vmem>>, vector<16xf32>,
      %mul3A_265 = arith.mulf %get3A_261, %get3A_264 : vector<16xf32>
      %get3A_266 = arith.index_cast %scan3A_194 : i32 to index
      %get3A_267 = arith.constant 16 : index
      %get3A_268 = tpu.vector_load %arg13[%get3A_266, %get3A_267] {strides = array<i32>} : memref<64x128xf32, #tpu.memory_space<vmem>>, vector<16xf32>,
      %get3A_269 = arith.index_cast %scan3A_194 : i32 to index
      %get3A_270 = arith.constant 16 : index
      %get3A_271 = tpu.vector_load %arg15[%get3A_269, %get3A_270] {strides = array<i32>} : memref<64x128xf32, #tpu.memory_space<vmem>>, vector<16xf32>,
      %mul3A_272 = arith.mulf %get3A_268, %get3A_271 : vector<16xf32>
      %add3A_273 = arith.addf %mul3A_265, %mul3A_272 : vector<16xf32>
      %mul3A_274 = arith.constant 128 : i32
      %mul3A_275 = arith.muli %scan3A_194, %mul3A_274 : i32
      %add3A_276 = arith.constant 16 : i32
      %add3A_277 = arith.addi %mul3A_275, %add3A_276 : i32
      %swap3A_278 = arith.index_cast %add3A_277 : i32 to index
      %swap3A_279 = tpu.vector_load %arg18[%swap3A_278] {strides = array<i32>} : memref<8192xf32, #tpu.memory_space<vmem>>, vector<16xf32>,
      tpu.vector_store %arg18[%swap3A_278], %add3A_273 {strides = array<i32>} : memref<8192xf32, #tpu.memory_space<vmem>>, vector<16xf32>,
      %get3A_280 = arith.index_cast %scan3A_194 : i32 to index
      %get3A_281 = arith.constant 32 : index
      %get3A_282 = tpu.vector_load %arg12[%get3A_280, %get3A_281] {strides = array<i32>} : memref<64x128xf32, #tpu.memory_space<vmem>>, vector<16xf32>,
      %get3A_283 = arith.index_cast %scan3A_194 : i32 to index
      %get3A_284 = arith.constant 32 : index
      %get3A_285 = tpu.vector_load %arg14[%get3A_283, %get3A_284] {strides = array<i32>} : memref<64x128xf32, #tpu.memory_space<vmem>>, vector<16xf32>,
      %mul3A_286 = arith.mulf %get3A_282, %get3A_285 : vector<16xf32>
      %get3A_287 = arith.index_cast %scan3A_194 : i32 to index
      %get3A_288 = arith.constant 32 : index
      %get3A_289 = tpu.vector_load %arg13[%get3A_287, %get3A_288] {strides = array<i32>} : memref<64x128xf32, #tpu.memory_space<vmem>>, vector<16xf32>,
      %get3A_290 = arith.index_cast %scan3A_194 : i32 to index
      %get3A_291 = arith.constant 32 : index
      %get3A_292 = tpu.vector_load %arg15[%get3A_290, %get3A_291] {strides = array<i32>} : memref<64x128xf32, #tpu.memory_space<vmem>>, vector<16xf32>,
      %mul3A_293 = arith.mulf %get3A_289, %get3A_292 : vector<16xf32>
      %add3A_294 = arith.addf %mul3A_286, %mul3A_293 : vector<16xf32>
      %mul3A_295 = arith.constant 128 : i32
      %mul3A_296 = arith.muli %scan3A_194, %mul3A_295 : i32
      %add3A_297 = arith.constant 32 : i32
      %add3A_298 = arith.addi %mul3A_296, %add3A_297 : i32
      %swap3A_299 = arith.index_cast %add3A_298 : i32 to index
      %swap3A_300 = tpu.vector_load %arg18[%swap3A_299] {strides = array<i32>} : memref<8192xf32, #tpu.memory_space<vmem>>, vector<16xf32>,
      tpu.vector_store %arg18[%swap3A_299], %add3A_294 {strides = array<i32>} : memref<8192xf32, #tpu.memory_space<vmem>>, vector<16xf32>,
      %get3A_301 = arith.index_cast %scan3A_194 : i32 to index
      %get3A_302 = arith.constant 48 : index
      %get3A_303 = tpu.vector_load %arg12[%get3A_301, %get3A_302] {strides = array<i32>} : memref<64x128xf32, #tpu.memory_space<vmem>>, vector<16xf32>,
      %get3A_304 = arith.index_cast %scan3A_194 : i32 to index
      %get3A_305 = arith.constant 48 : index
      %get3A_306 = tpu.vector_load %arg14[%get3A_304, %get3A_305] {strides = array<i32>} : memref<64x128xf32, #tpu.memory_space<vmem>>, vector<16xf32>,
      %mul3A_307 = arith.mulf %get3A_303, %get3A_306 : vector<16xf32>
      %get3A_308 = arith.index_cast %scan3A_194 : i32 to index
      %get3A_309 = arith.constant 48 : index
      %get3A_310 = tpu.vector_load %arg13[%get3A_308, %get3A_309] {strides = array<i32>} : memref<64x128xf32, #tpu.memory_space<vmem>>, vector<16xf32>,
      %get3A_311 = arith.index_cast %scan3A_194 : i32 to index
      %get3A_312 = arith.constant 48 : index
      %get3A_313 = tpu.vector_load %arg15[%get3A_311, %get3A_312] {strides = array<i32>} : memref<64x128xf32, #tpu.memory_space<vmem>>, vector<16xf32>,
      %mul3A_314 = arith.mulf %get3A_310, %get3A_313 : vector<16xf32>
      %add3A_315 = arith.addf %mul3A_307, %mul3A_314 : vector<16xf32>
      %mul3A_316 = arith.constant 128 : i32
      %mul3A_317 = arith.muli %scan3A_194, %mul3A_316 : i32
      %add3A_318 = arith.constant 48 : i32
      %add3A_319 = arith.addi %mul3A_317, %add3A_318 : i32
      %swap3A_320 = arith.index_cast %add3A_319 : i32 to index
      %swap3A_321 = tpu.vector_load %arg18[%swap3A_320] {strides = array<i32>} : memref<8192xf32, #tpu.memory_space<vmem>>, vector<16xf32>,
      tpu.vector_store %arg18[%swap3A_320], %add3A_315 {strides = array<i32>} : memref<8192xf32, #tpu.memory_space<vmem>>, vector<16xf32>,
      %get3A_322 = arith.index_cast %scan3A_194 : i32 to index
      %get3A_323 = arith.constant 64 : index
      %get3A_324 = tpu.vector_load %arg12[%get3A_322, %get3A_323] {strides = array<i32>} : memref<64x128xf32, #tpu.memory_space<vmem>>, vector<16xf32>,
      %get3A_325 = arith.index_cast %scan3A_194 : i32 to index
      %get3A_326 = arith.constant 64 : index
      %get3A_327 = tpu.vector_load %arg14[%get3A_325, %get3A_326] {strides = array<i32>} : memref<64x128xf32, #tpu.memory_space<vmem>>, vector<16xf32>,
      %mul3A_328 = arith.mulf %get3A_324, %get3A_327 : vector<16xf32>
      %get3A_329 = arith.index_cast %scan3A_194 : i32 to index
      %get3A_330 = arith.constant 64 : index
      %get3A_331 = tpu.vector_load %arg13[%get3A_329, %get3A_330] {strides = array<i32>} : memref<64x128xf32, #tpu.memory_space<vmem>>, vector<16xf32>,
      %get3A_332 = arith.index_cast %scan3A_194 : i32 to index
      %get3A_333 = arith.constant 64 : index
      %get3A_334 = tpu.vector_load %arg15[%get3A_332, %get3A_333] {strides = array<i32>} : memref<64x128xf32, #tpu.memory_space<vmem>>, vector<16xf32>,
      %mul3A_335 = arith.mulf %get3A_331, %get3A_334 : vector<16xf32>
      %add3A_336 = arith.addf %mul3A_328, %mul3A_335 : vector<16xf32>
      %mul3A_337 = arith.constant 128 : i32
      %mul3A_338 = arith.muli %scan3A_194, %mul3A_337 : i32
      %add3A_339 = arith.constant 64 : i32
      %add3A_340 = arith.addi %mul3A_338, %add3A_339 : i32
      %swap3A_341 = arith.index_cast %add3A_340 : i32 to index
      %swap3A_342 = tpu.vector_load %arg18[%swap3A_341] {strides = array<i32>} : memref<8192xf32, #tpu.memory_space<vmem>>, vector<16xf32>,
      tpu.vector_store %arg18[%swap3A_341], %add3A_336 {strides = array<i32>} : memref<8192xf32, #tpu.memory_space<vmem>>, vector<16xf32>,
      %get3A_343 = arith.index_cast %scan3A_194 : i32 to index
      %get3A_344 = arith.constant 80 : index
      %get3A_345 = tpu.vector_load %arg12[%get3A_343, %get3A_344] {strides = array<i32>} : memref<64x128xf32, #tpu.memory_space<vmem>>, vector<16xf32>,
      %get3A_346 = arith.index_cast %scan3A_194 : i32 to index
      %get3A_347 = arith.constant 80 : index
      %get3A_348 = tpu.vector_load %arg14[%get3A_346, %get3A_347] {strides = array<i32>} : memref<64x128xf32, #tpu.memory_space<vmem>>, vector<16xf32>,
      %mul3A_349 = arith.mulf %get3A_345, %get3A_348 : vector<16xf32>
      %get3A_350 = arith.index_cast %scan3A_194 : i32 to index
      %get3A_351 = arith.constant 80 : index
      %get3A_352 = tpu.vector_load %arg13[%get3A_350, %get3A_351] {strides = array<i32>} : memref<64x128xf32, #tpu.memory_space<vmem>>, vector<16xf32>,
      %get3A_353 = arith.index_cast %scan3A_194 : i32 to index
      %get3A_354 = arith.constant 80 : index
      %get3A_355 = tpu.vector_load %arg15[%get3A_353, %get3A_354] {strides = array<i32>} : memref<64x128xf32, #tpu.memory_space<vmem>>, vector<16xf32>,
      %mul3A_356 = arith.mulf %get3A_352, %get3A_355 : vector<16xf32>
      %add3A_357 = arith.addf %mul3A_349, %mul3A_356 : vector<16xf32>
      %mul3A_358 = arith.constant 128 : i32
      %mul3A_359 = arith.muli %scan3A_194, %mul3A_358 : i32
      %add3A_360 = arith.constant 80 : i32
      %add3A_361 = arith.addi %mul3A_359, %add3A_360 : i32
      %swap3A_362 = arith.index_cast %add3A_361 : i32 to index
      %swap3A_363 = tpu.vector_load %arg18[%swap3A_362] {strides = array<i32>} : memref<8192xf32, #tpu.memory_space<vmem>>, vector<16xf32>,
      tpu.vector_store %arg18[%swap3A_362], %add3A_357 {strides = array<i32>} : memref<8192xf32, #tpu.memory_space<vmem>>, vector<16xf32>,
      %get3A_364 = arith.index_cast %scan3A_194 : i32 to index
      %get3A_365 = arith.constant 96 : index
      %get3A_366 = tpu.vector_load %arg12[%get3A_364, %get3A_365] {strides = array<i32>} : memref<64x128xf32, #tpu.memory_space<vmem>>, vector<16xf32>,
      %get3A_367 = arith.index_cast %scan3A_194 : i32 to index
      %get3A_368 = arith.constant 96 : index
      %get3A_369 = tpu.vector_load %arg14[%get3A_367, %get3A_368] {strides = array<i32>} : memref<64x128xf32, #tpu.memory_space<vmem>>, vector<16xf32>,
      %mul3A_370 = arith.mulf %get3A_366, %get3A_369 : vector<16xf32>
      %get3A_371 = arith.index_cast %scan3A_194 : i32 to index
      %get3A_372 = arith.constant 96 : index
      %get3A_373 = tpu.vector_load %arg13[%get3A_371, %get3A_372] {strides = array<i32>} : memref<64x128xf32, #tpu.memory_space<vmem>>, vector<16xf32>,
      %get3A_374 = arith.index_cast %scan3A_194 : i32 to index
      %get3A_375 = arith.constant 96 : index
      %get3A_376 = tpu.vector_load %arg15[%get3A_374, %get3A_375] {strides = array<i32>} : memref<64x128xf32, #tpu.memory_space<vmem>>, vector<16xf32>,
      %mul3A_377 = arith.mulf %get3A_373, %get3A_376 : vector<16xf32>
      %add3A_378 = arith.addf %mul3A_370, %mul3A_377 : vector<16xf32>
      %mul3A_379 = arith.constant 128 : i32
      %mul3A_380 = arith.muli %scan3A_194, %mul3A_379 : i32
      %add3A_381 = arith.constant 96 : i32
      %add3A_382 = arith.addi %mul3A_380, %add3A_381 : i32
      %swap3A_383 = arith.index_cast %add3A_382 : i32 to index
      %swap3A_384 = tpu.vector_load %arg18[%swap3A_383] {strides = array<i32>} : memref<8192xf32, #tpu.memory_space<vmem>>, vector<16xf32>,
      tpu.vector_store %arg18[%swap3A_383], %add3A_378 {strides = array<i32>} : memref<8192xf32, #tpu.memory_space<vmem>>, vector<16xf32>,
      %get3A_385 = arith.index_cast %scan3A_194 : i32 to index
      %get3A_386 = arith.constant 112 : index
      %get3A_387 = tpu.vector_load %arg12[%get3A_385, %get3A_386] {strides = array<i32>} : memref<64x128xf32, #tpu.memory_space<vmem>>, vector<16xf32>,
      %get3A_388 = arith.index_cast %scan3A_194 : i32 to index
      %get3A_389 = arith.constant 112 : index
      %get3A_390 = tpu.vector_load %arg14[%get3A_388, %get3A_389] {strides = array<i32>} : memref<64x128xf32, #tpu.memory_space<vmem>>, vector<16xf32>,
      %mul3A_391 = arith.mulf %get3A_387, %get3A_390 : vector<16xf32>
      %get3A_392 = arith.index_cast %scan3A_194 : i32 to index
      %get3A_393 = arith.constant 112 : index
      %get3A_394 = tpu.vector_load %arg13[%get3A_392, %get3A_393] {strides = array<i32>} : memref<64x128xf32, #tpu.memory_space<vmem>>, vector<16xf32>,
      %get3A_395 = arith.index_cast %scan3A_194 : i32 to index
      %get3A_396 = arith.constant 112 : index
      %get3A_397 = tpu.vector_load %arg15[%get3A_395, %get3A_396] {strides = array<i32>} : memref<64x128xf32, #tpu.memory_space<vmem>>, vector<16xf32>,
      %mul3A_398 = arith.mulf %get3A_394, %get3A_397 : vector<16xf32>
      %add3A_399 = arith.addf %mul3A_391, %mul3A_398 : vector<16xf32>
      %mul3A_400 = arith.constant 128 : i32
      %mul3A_401 = arith.muli %scan3A_194, %mul3A_400 : i32
      %add3A_402 = arith.constant 112 : i32
      %add3A_403 = arith.addi %mul3A_401, %add3A_402 : i32
      %swap3A_404 = arith.index_cast %add3A_403 : i32 to index
      %swap3A_405 = tpu.vector_load %arg18[%swap3A_404] {strides = array<i32>} : memref<8192xf32, #tpu.memory_space<vmem>>, vector<16xf32>,
      tpu.vector_store %arg18[%swap3A_404], %add3A_399 {strides = array<i32>} : memref<8192xf32, #tpu.memory_space<vmem>>, vector<16xf32>,
    }
    %scan3A_99 = arith.constant 32 : i32
    "tpu.region"() ({
      %run_scoped3A_194 = tpu.sem_alloc : memref<!tpu.dma_semaphore, #tpu.memory_space<semaphore_mem>>
      %dma_start3A_195 = arith.constant 0 : i32
      %dma_start3A_196 = tpu.memref_slice %arg22[%arg1, %dma_start3A_195] : memref<16x8192xf32, #tpu.memory_space<vmem_shared>> -> memref<1x8192xf32, #tpu.memory_space<vmem_shared>>
      %dma_start3A_197 = tpu.memref_squeeze %dma_start3A_196 : memref<1x8192xf32, #tpu.memory_space<vmem_shared>> -> memref<8192xf32, #tpu.memory_space<vmem_shared>>
      %dma_start3A_198 = arith.constant 0 : i32
      %dma_start3A_199 = tpu.memref_slice %arg22[%arg1, %dma_start3A_198] : memref<16x8192xf32, #tpu.memory_space<vmem_shared>> -> memref<1x8192xf32, #tpu.memory_space<vmem_shared>>
      %dma_start3A_200 = tpu.memref_squeeze %dma_start3A_199 : memref<1x8192xf32, #tpu.memory_space<vmem_shared>> -> memref<8192xf32, #tpu.memory_space<vmem_shared>>
      tpu.enqueue_dma source(%arg18 : memref<8192xf32, #tpu.memory_space<vmem>>) target(%dma_start3A_200 : memref<8192xf32, #tpu.memory_space<vmem_shared>>) target_semaphore(%run_scoped3A_194 : memref<!tpu.dma_semaphore, #tpu.memory_space<semaphore_mem>>)
      %dma_wait3A_201 = arith.constant 0 : i32
      %dma_wait3A_202 = tpu.memref_slice %arg22[%arg1, %dma_wait3A_201] : memref<16x8192xf32, #tpu.memory_space<vmem_shared>> -> memref<1x8192xf32, #tpu.memory_space<vmem_shared>>
      %dma_wait3A_203 = tpu.memref_squeeze %dma_wait3A_202 : memref<1x8192xf32, #tpu.memory_space<vmem_shared>> -> memref<8192xf32, #tpu.memory_space<vmem_shared>>
      %dma_wait3A_204 = arith.constant 0 : i32
      %dma_wait3A_205 = tpu.memref_slice %arg22[%arg1, %dma_wait3A_204] : memref<16x8192xf32, #tpu.memory_space<vmem_shared>> -> memref<1x8192xf32, #tpu.memory_space<vmem_shared>>
      %dma_wait3A_206 = tpu.memref_squeeze %dma_wait3A_205 : memref<1x8192xf32, #tpu.memory_space<vmem_shared>> -> memref<8192xf32, #tpu.memory_space<vmem_shared>>
      tpu.wait_dma2 semaphore(%run_scoped3A_194 : memref<!tpu.dma_semaphore, #tpu.memory_space<semaphore_mem>>) src(%arg18 : memref<8192xf32, #tpu.memory_space<vmem>>) dst(%dma_wait3A_206 : memref<8192xf32, #tpu.memory_space<vmem_shared>>)
      tpu.yield
    }) : () -> ()
    %barrier3A = arith.constant 0 : index
    tpu.barrier barrier_id(%barrier3A)
    %run_scoped3A = arith.constant 0 : i32
    %run_scoped3A_100 = arith.constant 0 : i32
    "tpu.region"() ({
      %run_scoped3A_194 = tpu.sem_alloc : memref<!tpu.dma_semaphore, #tpu.memory_space<semaphore_mem>>
      %dma_start3A_195 = arith.constant 0 : i32
      %dma_start3A_196 = tpu.memref_slice %arg19[%run_scoped3A_100, %dma_start3A_195] : memref<16x512xf32, #tpu.memory_space<vmem>> -> memref<1x512xf32, #tpu.memory_space<vmem>>
      %dma_start3A_197 = tpu.memref_squeeze %dma_start3A_196 : memref<1x512xf32, #tpu.memory_space<vmem>> -> memref<512xf32, #tpu.memory_space<vmem>>
      %dma_start3A_198 = tpu.memref_slice %arg22[%run_scoped3A, %mul3A_5] : memref<16x8192xf32, #tpu.memory_space<vmem_shared>> -> memref<1x512xf32, #tpu.memory_space<vmem_shared>>
      %dma_start3A_199 = tpu.memref_squeeze %dma_start3A_198 : memref<1x512xf32, #tpu.memory_space<vmem_shared>> -> memref<512xf32, #tpu.memory_space<vmem_shared>>
      %dma_start3A_200 = arith.constant 0 : i32
      %dma_start3A_201 = tpu.memref_slice %arg19[%run_scoped3A_100, %dma_start3A_200] : memref<16x512xf32, #tpu.memory_space<vmem>> -> memref<1x512xf32, #tpu.memory_space<vmem>>
      %dma_start3A_202 = tpu.memref_squeeze %dma_start3A_201 : memref<1x512xf32, #tpu.memory_space<vmem>> -> memref<512xf32, #tpu.memory_space<vmem>>
      %dma_start3A_203 = tpu.memref_slice %arg22[%run_scoped3A, %mul3A_5] : memref<16x8192xf32, #tpu.memory_space<vmem_shared>> -> memref<1x512xf32, #tpu.memory_space<vmem_shared>>
      %dma_start3A_204 = tpu.memref_squeeze %dma_start3A_203 : memref<1x512xf32, #tpu.memory_space<vmem_shared>> -> memref<512xf32, #tpu.memory_space<vmem_shared>>
      tpu.enqueue_dma source(%dma_start3A_204 : memref<512xf32, #tpu.memory_space<vmem_shared>>) target(%dma_start3A_202 : memref<512xf32, #tpu.memory_space<vmem>>) target_semaphore(%run_scoped3A_194 : memref<!tpu.dma_semaphore, #tpu.memory_space<semaphore_mem>>)
      %dma_wait3A_205 = arith.constant 0 : i32
      %dma_wait3A_206 = tpu.memref_slice %arg19[%run_scoped3A_100, %dma_wait3A_205] : memref<16x512xf32, #tpu.memory_space<vmem>> -> memref<1x512xf32, #tpu.memory_space<vmem>>
      %dma_wait3A_207 = tpu.memref_squeeze %dma_wait3A_206 : memref<1x512xf32, #tpu.memory_space<vmem>> -> memref<512xf32, #tpu.memory_space<vmem>>
      %dma_wait3A_208 = tpu.memref_slice %arg22[%run_scoped3A, %mul3A_5] : memref<16x8192xf32, #tpu.memory_space<vmem_shared>> -> memref<1x512xf32, #tpu.memory_space<vmem_shared>>
      %dma_wait3A_209 = tpu.memref_squeeze %dma_wait3A_208 : memref<1x512xf32, #tpu.memory_space<vmem_shared>> -> memref<512xf32, #tpu.memory_space<vmem_shared>>
      %dma_wait3A_210 = arith.constant 0 : i32
      %dma_wait3A_211 = tpu.memref_slice %arg19[%run_scoped3A_100, %dma_wait3A_210] : memref<16x512xf32, #tpu.memory_space<vmem>> -> memref<1x512xf32, #tpu.memory_space<vmem>>
      %dma_wait3A_212 = tpu.memref_squeeze %dma_wait3A_211 : memref<1x512xf32, #tpu.memory_space<vmem>> -> memref<512xf32, #tpu.memory_space<vmem>>
      %dma_wait3A_213 = tpu.memref_slice %arg22[%run_scoped3A, %mul3A_5] : memref<16x8192xf32, #tpu.memory_space<vmem_shared>> -> memref<1x512xf32, #tpu.memory_space<vmem_shared>>
      %dma_wait3A_214 = tpu.memref_squeeze %dma_wait3A_213 : memref<1x512xf32, #tpu.memory_space<vmem_shared>> -> memref<512xf32, #tpu.memory_space<vmem_shared>>
      tpu.wait_dma2 semaphore(%run_scoped3A_194 : memref<!tpu.dma_semaphore, #tpu.memory_space<semaphore_mem>>) src(%dma_wait3A_214 : memref<512xf32, #tpu.memory_space<vmem_shared>>) dst(%dma_wait3A_212 : memref<512xf32, #tpu.memory_space<vmem>>)
      tpu.yield
    }) : () -> ()
    %run_scoped3A_101 = arith.constant 1 : i32
    %run_scoped3A_102 = arith.constant 1 : i32
    "tpu.region"() ({
      %run_scoped3A_194 = tpu.sem_alloc : memref<!tpu.dma_semaphore, #tpu.memory_space<semaphore_mem>>
      %dma_start3A_195 = arith.constant 0 : i32
      %dma_start3A_196 = tpu.memref_slice %arg19[%run_scoped3A_102, %dma_start3A_195] : memref<16x512xf32, #tpu.memory_space<vmem>> -> memref<1x512xf32, #tpu.memory_space<vmem>>
      %dma_start3A_197 = tpu.memref_squeeze %dma_start3A_196 : memref<1x512xf32, #tpu.memory_space<vmem>> -> memref<512xf32, #tpu.memory_space<vmem>>
      %dma_start3A_198 = tpu.memref_slice %arg22[%run_scoped3A_101, %mul3A_5] : memref<16x8192xf32, #tpu.memory_space<vmem_shared>> -> memref<1x512xf32, #tpu.memory_space<vmem_shared>>
      %dma_start3A_199 = tpu.memref_squeeze %dma_start3A_198 : memref<1x512xf32, #tpu.memory_space<vmem_shared>> -> memref<512xf32, #tpu.memory_space<vmem_shared>>
      %dma_start3A_200 = arith.constant 0 : i32
      %dma_start3A_201 = tpu.memref_slice %arg19[%run_scoped3A_102, %dma_start3A_200] : memref<16x512xf32, #tpu.memory_space<vmem>> -> memref<1x512xf32, #tpu.memory_space<vmem>>
      %dma_start3A_202 = tpu.memref_squeeze %dma_start3A_201 : memref<1x512xf32, #tpu.memory_space<vmem>> -> memref<512xf32, #tpu.memory_space<vmem>>
      %dma_start3A_203 = tpu.memref_slice %arg22[%run_scoped3A_101, %mul3A_5] : memref<16x8192xf32, #tpu.memory_space<vmem_shared>> -> memref<1x512xf32, #tpu.memory_space<vmem_shared>>
      %dma_start3A_204 = tpu.memref_squeeze %dma_start3A_203 : memref<1x512xf32, #tpu.memory_space<vmem_shared>> -> memref<512xf32, #tpu.memory_space<vmem_shared>>
      tpu.enqueue_dma source(%dma_start3A_204 : memref<512xf32, #tpu.memory_space<vmem_shared>>) target(%dma_start3A_202 : memref<512xf32, #tpu.memory_space<vmem>>) target_semaphore(%run_scoped3A_194 : memref<!tpu.dma_semaphore, #tpu.memory_space<semaphore_mem>>)
      %dma_wait3A_205 = arith.constant 0 : i32
      %dma_wait3A_206 = tpu.memref_slice %arg19[%run_scoped3A_102, %dma_wait3A_205] : memref<16x512xf32, #tpu.memory_space<vmem>> -> memref<1x512xf32, #tpu.memory_space<vmem>>
      %dma_wait3A_207 = tpu.memref_squeeze %dma_wait3A_206 : memref<1x512xf32, #tpu.memory_space<vmem>> -> memref<512xf32, #tpu.memory_space<vmem>>
      %dma_wait3A_208 = tpu.memref_slice %arg22[%run_scoped3A_101, %mul3A_5] : memref<16x8192xf32, #tpu.memory_space<vmem_shared>> -> memref<1x512xf32, #tpu.memory_space<vmem_shared>>
      %dma_wait3A_209 = tpu.memref_squeeze %dma_wait3A_208 : memref<1x512xf32, #tpu.memory_space<vmem_shared>> -> memref<512xf32, #tpu.memory_space<vmem_shared>>
      %dma_wait3A_210 = arith.constant 0 : i32
      %dma_wait3A_211 = tpu.memref_slice %arg19[%run_scoped3A_102, %dma_wait3A_210] : memref<16x512xf32, #tpu.memory_space<vmem>> -> memref<1x512xf32, #tpu.memory_space<vmem>>
      %dma_wait3A_212 = tpu.memref_squeeze %dma_wait3A_211 : memref<1x512xf32, #tpu.memory_space<vmem>> -> memref<512xf32, #tpu.memory_space<vmem>>
      %dma_wait3A_213 = tpu.memref_slice %arg22[%run_scoped3A_101, %mul3A_5] : memref<16x8192xf32, #tpu.memory_space<vmem_shared>> -> memref<1x512xf32, #tpu.memory_space<vmem_shared>>
      %dma_wait3A_214 = tpu.memref_squeeze %dma_wait3A_213 : memref<1x512xf32, #tpu.memory_space<vmem_shared>> -> memref<512xf32, #tpu.memory_space<vmem_shared>>
      tpu.wait_dma2 semaphore(%run_scoped3A_194 : memref<!tpu.dma_semaphore, #tpu.memory_space<semaphore_mem>>) src(%dma_wait3A_214 : memref<512xf32, #tpu.memory_space<vmem_shared>>) dst(%dma_wait3A_212 : memref<512xf32, #tpu.memory_space<vmem>>)
      tpu.yield
    }) : () -> ()
    %run_scoped3A_103 = arith.constant 2 : i32
    %run_scoped3A_104 = arith.constant 2 : i32
    "tpu.region"() ({
      %run_scoped3A_194 = tpu.sem_alloc : memref<!tpu.dma_semaphore, #tpu.memory_space<semaphore_mem>>
      %dma_start3A_195 = arith.constant 0 : i32
      %dma_start3A_196 = tpu.memref_slice %arg19[%run_scoped3A_104, %dma_start3A_195] : memref<16x512xf32, #tpu.memory_space<vmem>> -> memref<1x512xf32, #tpu.memory_space<vmem>>
      %dma_start3A_197 = tpu.memref_squeeze %dma_start3A_196 : memref<1x512xf32, #tpu.memory_space<vmem>> -> memref<512xf32, #tpu.memory_space<vmem>>
      %dma_start3A_198 = tpu.memref_slice %arg22[%run_scoped3A_103, %mul3A_5] : memref<16x8192xf32, #tpu.memory_space<vmem_shared>> -> memref<1x512xf32, #tpu.memory_space<vmem_shared>>
      %dma_start3A_199 = tpu.memref_squeeze %dma_start3A_198 : memref<1x512xf32, #tpu.memory_space<vmem_shared>> -> memref<512xf32, #tpu.memory_space<vmem_shared>>
      %dma_start3A_200 = arith.constant 0 : i32
      %dma_start3A_201 = tpu.memref_slice %arg19[%run_scoped3A_104, %dma_start3A_200] : memref<16x512xf32, #tpu.memory_space<vmem>> -> memref<1x512xf32, #tpu.memory_space<vmem>>
      %dma_start3A_202 = tpu.memref_squeeze %dma_start3A_201 : memref<1x512xf32, #tpu.memory_space<vmem>> -> memref<512xf32, #tpu.memory_space<vmem>>
      %dma_start3A_203 = tpu.memref_slice %arg22[%run_scoped3A_103, %mul3A_5] : memref<16x8192xf32, #tpu.memory_space<vmem_shared>> -> memref<1x512xf32, #tpu.memory_space<vmem_shared>>
      %dma_start3A_204 = tpu.memref_squeeze %dma_start3A_203 : memref<1x512xf32, #tpu.memory_space<vmem_shared>> -> memref<512xf32, #tpu.memory_space<vmem_shared>>
      tpu.enqueue_dma source(%dma_start3A_204 : memref<512xf32, #tpu.memory_space<vmem_shared>>) target(%dma_start3A_202 : memref<512xf32, #tpu.memory_space<vmem>>) target_semaphore(%run_scoped3A_194 : memref<!tpu.dma_semaphore, #tpu.memory_space<semaphore_mem>>)
      %dma_wait3A_205 = arith.constant 0 : i32
      %dma_wait3A_206 = tpu.memref_slice %arg19[%run_scoped3A_104, %dma_wait3A_205] : memref<16x512xf32, #tpu.memory_space<vmem>> -> memref<1x512xf32, #tpu.memory_space<vmem>>
      %dma_wait3A_207 = tpu.memref_squeeze %dma_wait3A_206 : memref<1x512xf32, #tpu.memory_space<vmem>> -> memref<512xf32, #tpu.memory_space<vmem>>
      %dma_wait3A_208 = tpu.memref_slice %arg22[%run_scoped3A_103, %mul3A_5] : memref<16x8192xf32, #tpu.memory_space<vmem_shared>> -> memref<1x512xf32, #tpu.memory_space<vmem_shared>>
      %dma_wait3A_209 = tpu.memref_squeeze %dma_wait3A_208 : memref<1x512xf32, #tpu.memory_space<vmem_shared>> -> memref<512xf32, #tpu.memory_space<vmem_shared>>
      %dma_wait3A_210 = arith.constant 0 : i32
      %dma_wait3A_211 = tpu.memref_slice %arg19[%run_scoped3A_104, %dma_wait3A_210] : memref<16x512xf32, #tpu.memory_space<vmem>> -> memref<1x512xf32, #tpu.memory_space<vmem>>
      %dma_wait3A_212 = tpu.memref_squeeze %dma_wait3A_211 : memref<1x512xf32, #tpu.memory_space<vmem>> -> memref<512xf32, #tpu.memory_space<vmem>>
      %dma_wait3A_213 = tpu.memref_slice %arg22[%run_scoped3A_103, %mul3A_5] : memref<16x8192xf32, #tpu.memory_space<vmem_shared>> -> memref<1x512xf32, #tpu.memory_space<vmem_shared>>
      %dma_wait3A_214 = tpu.memref_squeeze %dma_wait3A_213 : memref<1x512xf32, #tpu.memory_space<vmem_shared>> -> memref<512xf32, #tpu.memory_space<vmem_shared>>
      tpu.wait_dma2 semaphore(%run_scoped3A_194 : memref<!tpu.dma_semaphore, #tpu.memory_space<semaphore_mem>>) src(%dma_wait3A_214 : memref<512xf32, #tpu.memory_space<vmem_shared>>) dst(%dma_wait3A_212 : memref<512xf32, #tpu.memory_space<vmem>>)
      tpu.yield
    }) : () -> ()
    %run_scoped3A_105 = arith.constant 3 : i32
    %run_scoped3A_106 = arith.constant 3 : i32
    "tpu.region"() ({
      %run_scoped3A_194 = tpu.sem_alloc : memref<!tpu.dma_semaphore, #tpu.memory_space<semaphore_mem>>
      %dma_start3A_195 = arith.constant 0 : i32
      %dma_start3A_196 = tpu.memref_slice %arg19[%run_scoped3A_106, %dma_start3A_195] : memref<16x512xf32, #tpu.memory_space<vmem>> -> memref<1x512xf32, #tpu.memory_space<vmem>>
      %dma_start3A_197 = tpu.memref_squeeze %dma_start3A_196 : memref<1x512xf32, #tpu.memory_space<vmem>> -> memref<512xf32, #tpu.memory_space<vmem>>
      %dma_start3A_198 = tpu.memref_slice %arg22[%run_scoped3A_105, %mul3A_5] : memref<16x8192xf32, #tpu.memory_space<vmem_shared>> -> memref<1x512xf32, #tpu.memory_space<vmem_shared>>
      %dma_start3A_199 = tpu.memref_squeeze %dma_start3A_198 : memref<1x512xf32, #tpu.memory_space<vmem_shared>> -> memref<512xf32, #tpu.memory_space<vmem_shared>>
      %dma_start3A_200 = arith.constant 0 : i32
      %dma_start3A_201 = tpu.memref_slice %arg19[%run_scoped3A_106, %dma_start3A_200] : memref<16x512xf32, #tpu.memory_space<vmem>> -> memref<1x512xf32, #tpu.memory_space<vmem>>
      %dma_start3A_202 = tpu.memref_squeeze %dma_start3A_201 : memref<1x512xf32, #tpu.memory_space<vmem>> -> memref<512xf32, #tpu.memory_space<vmem>>
      %dma_start3A_203 = tpu.memref_slice %arg22[%run_scoped3A_105, %mul3A_5] : memref<16x8192xf32, #tpu.memory_space<vmem_shared>> -> memref<1x512xf32, #tpu.memory_space<vmem_shared>>
      %dma_start3A_204 = tpu.memref_squeeze %dma_start3A_203 : memref<1x512xf32, #tpu.memory_space<vmem_shared>> -> memref<512xf32, #tpu.memory_space<vmem_shared>>
      tpu.enqueue_dma source(%dma_start3A_204 : memref<512xf32, #tpu.memory_space<vmem_shared>>) target(%dma_start3A_202 : memref<512xf32, #tpu.memory_space<vmem>>) target_semaphore(%run_scoped3A_194 : memref<!tpu.dma_semaphore, #tpu.memory_space<semaphore_mem>>)
      %dma_wait3A_205 = arith.constant 0 : i32
      %dma_wait3A_206 = tpu.memref_slice %arg19[%run_scoped3A_106, %dma_wait3A_205] : memref<16x512xf32, #tpu.memory_space<vmem>> -> memref<1x512xf32, #tpu.memory_space<vmem>>
      %dma_wait3A_207 = tpu.memref_squeeze %dma_wait3A_206 : memref<1x512xf32, #tpu.memory_space<vmem>> -> memref<512xf32, #tpu.memory_space<vmem>>
      %dma_wait3A_208 = tpu.memref_slice %arg22[%run_scoped3A_105, %mul3A_5] : memref<16x8192xf32, #tpu.memory_space<vmem_shared>> -> memref<1x512xf32, #tpu.memory_space<vmem_shared>>
      %dma_wait3A_209 = tpu.memref_squeeze %dma_wait3A_208 : memref<1x512xf32, #tpu.memory_space<vmem_shared>> -> memref<512xf32, #tpu.memory_space<vmem_shared>>
      %dma_wait3A_210 = arith.constant 0 : i32
      %dma_wait3A_211 = tpu.memref_slice %arg19[%run_scoped3A_106, %dma_wait3A_210] : memref<16x512xf32, #tpu.memory_space<vmem>> -> memref<1x512xf32, #tpu.memory_space<vmem>>
      %dma_wait3A_212 = tpu.memref_squeeze %dma_wait3A_211 : memref<1x512xf32, #tpu.memory_space<vmem>> -> memref<512xf32, #tpu.memory_space<vmem>>
      %dma_wait3A_213 = tpu.memref_slice %arg22[%run_scoped3A_105, %mul3A_5] : memref<16x8192xf32, #tpu.memory_space<vmem_shared>> -> memref<1x512xf32, #tpu.memory_space<vmem_shared>>
      %dma_wait3A_214 = tpu.memref_squeeze %dma_wait3A_213 : memref<1x512xf32, #tpu.memory_space<vmem_shared>> -> memref<512xf32, #tpu.memory_space<vmem_shared>>
      tpu.wait_dma2 semaphore(%run_scoped3A_194 : memref<!tpu.dma_semaphore, #tpu.memory_space<semaphore_mem>>) src(%dma_wait3A_214 : memref<512xf32, #tpu.memory_space<vmem_shared>>) dst(%dma_wait3A_212 : memref<512xf32, #tpu.memory_space<vmem>>)
      tpu.yield
    }) : () -> ()
    %run_scoped3A_107 = arith.constant 4 : i32
    %run_scoped3A_108 = arith.constant 4 : i32
    "tpu.region"() ({
      %run_scoped3A_194 = tpu.sem_alloc : memref<!tpu.dma_semaphore, #tpu.memory_space<semaphore_mem>>
      %dma_start3A_195 = arith.constant 0 : i32
      %dma_start3A_196 = tpu.memref_slice %arg19[%run_scoped3A_108, %dma_start3A_195] : memref<16x512xf32, #tpu.memory_space<vmem>> -> memref<1x512xf32, #tpu.memory_space<vmem>>
      %dma_start3A_197 = tpu.memref_squeeze %dma_start3A_196 : memref<1x512xf32, #tpu.memory_space<vmem>> -> memref<512xf32, #tpu.memory_space<vmem>>
      %dma_start3A_198 = tpu.memref_slice %arg22[%run_scoped3A_107, %mul3A_5] : memref<16x8192xf32, #tpu.memory_space<vmem_shared>> -> memref<1x512xf32, #tpu.memory_space<vmem_shared>>
      %dma_start3A_199 = tpu.memref_squeeze %dma_start3A_198 : memref<1x512xf32, #tpu.memory_space<vmem_shared>> -> memref<512xf32, #tpu.memory_space<vmem_shared>>
      %dma_start3A_200 = arith.constant 0 : i32
      %dma_start3A_201 = tpu.memref_slice %arg19[%run_scoped3A_108, %dma_start3A_200] : memref<16x512xf32, #tpu.memory_space<vmem>> -> memref<1x512xf32, #tpu.memory_space<vmem>>
      %dma_start3A_202 = tpu.memref_squeeze %dma_start3A_201 : memref<1x512xf32, #tpu.memory_space<vmem>> -> memref<512xf32, #tpu.memory_space<vmem>>
      %dma_start3A_203 = tpu.memref_slice %arg22[%run_scoped3A_107, %mul3A_5] : memref<16x8192xf32, #tpu.memory_space<vmem_shared>> -> memref<1x512xf32, #tpu.memory_space<vmem_shared>>
      %dma_start3A_204 = tpu.memref_squeeze %dma_start3A_203 : memref<1x512xf32, #tpu.memory_space<vmem_shared>> -> memref<512xf32, #tpu.memory_space<vmem_shared>>
      tpu.enqueue_dma source(%dma_start3A_204 : memref<512xf32, #tpu.memory_space<vmem_shared>>) target(%dma_start3A_202 : memref<512xf32, #tpu.memory_space<vmem>>) target_semaphore(%run_scoped3A_194 : memref<!tpu.dma_semaphore, #tpu.memory_space<semaphore_mem>>)
      %dma_wait3A_205 = arith.constant 0 : i32
      %dma_wait3A_206 = tpu.memref_slice %arg19[%run_scoped3A_108, %dma_wait3A_205] : memref<16x512xf32, #tpu.memory_space<vmem>> -> memref<1x512xf32, #tpu.memory_space<vmem>>
      %dma_wait3A_207 = tpu.memref_squeeze %dma_wait3A_206 : memref<1x512xf32, #tpu.memory_space<vmem>> -> memref<512xf32, #tpu.memory_space<vmem>>
      %dma_wait3A_208 = tpu.memref_slice %arg22[%run_scoped3A_107, %mul3A_5] : memref<16x8192xf32, #tpu.memory_space<vmem_shared>> -> memref<1x512xf32, #tpu.memory_space<vmem_shared>>
      %dma_wait3A_209 = tpu.memref_squeeze %dma_wait3A_208 : memref<1x512xf32, #tpu.memory_space<vmem_shared>> -> memref<512xf32, #tpu.memory_space<vmem_shared>>
      %dma_wait3A_210 = arith.constant 0 : i32
      %dma_wait3A_211 = tpu.memref_slice %arg19[%run_scoped3A_108, %dma_wait3A_210] : memref<16x512xf32, #tpu.memory_space<vmem>> -> memref<1x512xf32, #tpu.memory_space<vmem>>
      %dma_wait3A_212 = tpu.memref_squeeze %dma_wait3A_211 : memref<1x512xf32, #tpu.memory_space<vmem>> -> memref<512xf32, #tpu.memory_space<vmem>>
      %dma_wait3A_213 = tpu.memref_slice %arg22[%run_scoped3A_107, %mul3A_5] : memref<16x8192xf32, #tpu.memory_space<vmem_shared>> -> memref<1x512xf32, #tpu.memory_space<vmem_shared>>
      %dma_wait3A_214 = tpu.memref_squeeze %dma_wait3A_213 : memref<1x512xf32, #tpu.memory_space<vmem_shared>> -> memref<512xf32, #tpu.memory_space<vmem_shared>>
      tpu.wait_dma2 semaphore(%run_scoped3A_194 : memref<!tpu.dma_semaphore, #tpu.memory_space<semaphore_mem>>) src(%dma_wait3A_214 : memref<512xf32, #tpu.memory_space<vmem_shared>>) dst(%dma_wait3A_212 : memref<512xf32, #tpu.memory_space<vmem>>)
      tpu.yield
    }) : () -> ()
    %run_scoped3A_109 = arith.constant 5 : i32
    %run_scoped3A_110 = arith.constant 5 : i32
    "tpu.region"() ({
      %run_scoped3A_194 = tpu.sem_alloc : memref<!tpu.dma_semaphore, #tpu.memory_space<semaphore_mem>>
      %dma_start3A_195 = arith.constant 0 : i32
      %dma_start3A_196 = tpu.memref_slice %arg19[%run_scoped3A_110, %dma_start3A_195] : memref<16x512xf32, #tpu.memory_space<vmem>> -> memref<1x512xf32, #tpu.memory_space<vmem>>
      %dma_start3A_197 = tpu.memref_squeeze %dma_start3A_196 : memref<1x512xf32, #tpu.memory_space<vmem>> -> memref<512xf32, #tpu.memory_space<vmem>>
      %dma_start3A_198 = tpu.memref_slice %arg22[%run_scoped3A_109, %mul3A_5] : memref<16x8192xf32, #tpu.memory_space<vmem_shared>> -> memref<1x512xf32, #tpu.memory_space<vmem_shared>>
      %dma_start3A_199 = tpu.memref_squeeze %dma_start3A_198 : memref<1x512xf32, #tpu.memory_space<vmem_shared>> -> memref<512xf32, #tpu.memory_space<vmem_shared>>
      %dma_start3A_200 = arith.constant 0 : i32
      %dma_start3A_201 = tpu.memref_slice %arg19[%run_scoped3A_110, %dma_start3A_200] : memref<16x512xf32, #tpu.memory_space<vmem>> -> memref<1x512xf32, #tpu.memory_space<vmem>>
      %dma_start3A_202 = tpu.memref_squeeze %dma_start3A_201 : memref<1x512xf32, #tpu.memory_space<vmem>> -> memref<512xf32, #tpu.memory_space<vmem>>
      %dma_start3A_203 = tpu.memref_slice %arg22[%run_scoped3A_109, %mul3A_5] : memref<16x8192xf32, #tpu.memory_space<vmem_shared>> -> memref<1x512xf32, #tpu.memory_space<vmem_shared>>
      %dma_start3A_204 = tpu.memref_squeeze %dma_start3A_203 : memref<1x512xf32, #tpu.memory_space<vmem_shared>> -> memref<512xf32, #tpu.memory_space<vmem_shared>>
      tpu.enqueue_dma source(%dma_start3A_204 : memref<512xf32, #tpu.memory_space<vmem_shared>>) target(%dma_start3A_202 : memref<512xf32, #tpu.memory_space<vmem>>) target_semaphore(%run_scoped3A_194 : memref<!tpu.dma_semaphore, #tpu.memory_space<semaphore_mem>>)
      %dma_wait3A_205 = arith.constant 0 : i32
      %dma_wait3A_206 = tpu.memref_slice %arg19[%run_scoped3A_110, %dma_wait3A_205] : memref<16x512xf32, #tpu.memory_space<vmem>> -> memref<1x512xf32, #tpu.memory_space<vmem>>
      %dma_wait3A_207 = tpu.memref_squeeze %dma_wait3A_206 : memref<1x512xf32, #tpu.memory_space<vmem>> -> memref<512xf32, #tpu.memory_space<vmem>>
      %dma_wait3A_208 = tpu.memref_slice %arg22[%run_scoped3A_109, %mul3A_5] : memref<16x8192xf32, #tpu.memory_space<vmem_shared>> -> memref<1x512xf32, #tpu.memory_space<vmem_shared>>
      %dma_wait3A_209 = tpu.memref_squeeze %dma_wait3A_208 : memref<1x512xf32, #tpu.memory_space<vmem_shared>> -> memref<512xf32, #tpu.memory_space<vmem_shared>>
      %dma_wait3A_210 = arith.constant 0 : i32
      %dma_wait3A_211 = tpu.memref_slice %arg19[%run_scoped3A_110, %dma_wait3A_210] : memref<16x512xf32, #tpu.memory_space<vmem>> -> memref<1x512xf32, #tpu.memory_space<vmem>>
      %dma_wait3A_212 = tpu.memref_squeeze %dma_wait3A_211 : memref<1x512xf32, #tpu.memory_space<vmem>> -> memref<512xf32, #tpu.memory_space<vmem>>
      %dma_wait3A_213 = tpu.memref_slice %arg22[%run_scoped3A_109, %mul3A_5] : memref<16x8192xf32, #tpu.memory_space<vmem_shared>> -> memref<1x512xf32, #tpu.memory_space<vmem_shared>>
      %dma_wait3A_214 = tpu.memref_squeeze %dma_wait3A_213 : memref<1x512xf32, #tpu.memory_space<vmem_shared>> -> memref<512xf32, #tpu.memory_space<vmem_shared>>
      tpu.wait_dma2 semaphore(%run_scoped3A_194 : memref<!tpu.dma_semaphore, #tpu.memory_space<semaphore_mem>>) src(%dma_wait3A_214 : memref<512xf32, #tpu.memory_space<vmem_shared>>) dst(%dma_wait3A_212 : memref<512xf32, #tpu.memory_space<vmem>>)
      tpu.yield
    }) : () -> ()
    %run_scoped3A_111 = arith.constant 6 : i32
    %run_scoped3A_112 = arith.constant 6 : i32
    "tpu.region"() ({
      %run_scoped3A_194 = tpu.sem_alloc : memref<!tpu.dma_semaphore, #tpu.memory_space<semaphore_mem>>
      %dma_start3A_195 = arith.constant 0 : i32
      %dma_start3A_196 = tpu.memref_slice %arg19[%run_scoped3A_112, %dma_start3A_195] : memref<16x512xf32, #tpu.memory_space<vmem>> -> memref<1x512xf32, #tpu.memory_space<vmem>>
      %dma_start3A_197 = tpu.memref_squeeze %dma_start3A_196 : memref<1x512xf32, #tpu.memory_space<vmem>> -> memref<512xf32, #tpu.memory_space<vmem>>
      %dma_start3A_198 = tpu.memref_slice %arg22[%run_scoped3A_111, %mul3A_5] : memref<16x8192xf32, #tpu.memory_space<vmem_shared>> -> memref<1x512xf32, #tpu.memory_space<vmem_shared>>
      %dma_start3A_199 = tpu.memref_squeeze %dma_start3A_198 : memref<1x512xf32, #tpu.memory_space<vmem_shared>> -> memref<512xf32, #tpu.memory_space<vmem_shared>>
      %dma_start3A_200 = arith.constant 0 : i32
      %dma_start3A_201 = tpu.memref_slice %arg19[%run_scoped3A_112, %dma_start3A_200] : memref<16x512xf32, #tpu.memory_space<vmem>> -> memref<1x512xf32, #tpu.memory_space<vmem>>
      %dma_start3A_202 = tpu.memref_squeeze %dma_start3A_201 : memref<1x512xf32, #tpu.memory_space<vmem>> -> memref<512xf32, #tpu.memory_space<vmem>>
      %dma_start3A_203 = tpu.memref_slice %arg22[%run_scoped3A_111, %mul3A_5] : memref<16x8192xf32, #tpu.memory_space<vmem_shared>> -> memref<1x512xf32, #tpu.memory_space<vmem_shared>>
      %dma_start3A_204 = tpu.memref_squeeze %dma_start3A_203 : memref<1x512xf32, #tpu.memory_space<vmem_shared>> -> memref<512xf32, #tpu.memory_space<vmem_shared>>
      tpu.enqueue_dma source(%dma_start3A_204 : memref<512xf32, #tpu.memory_space<vmem_shared>>) target(%dma_start3A_202 : memref<512xf32, #tpu.memory_space<vmem>>) target_semaphore(%run_scoped3A_194 : memref<!tpu.dma_semaphore, #tpu.memory_space<semaphore_mem>>)
      %dma_wait3A_205 = arith.constant 0 : i32
      %dma_wait3A_206 = tpu.memref_slice %arg19[%run_scoped3A_112, %dma_wait3A_205] : memref<16x512xf32, #tpu.memory_space<vmem>> -> memref<1x512xf32, #tpu.memory_space<vmem>>
      %dma_wait3A_207 = tpu.memref_squeeze %dma_wait3A_206 : memref<1x512xf32, #tpu.memory_space<vmem>> -> memref<512xf32, #tpu.memory_space<vmem>>
      %dma_wait3A_208 = tpu.memref_slice %arg22[%run_scoped3A_111, %mul3A_5] : memref<16x8192xf32, #tpu.memory_space<vmem_shared>> -> memref<1x512xf32, #tpu.memory_space<vmem_shared>>
      %dma_wait3A_209 = tpu.memref_squeeze %dma_wait3A_208 : memref<1x512xf32, #tpu.memory_space<vmem_shared>> -> memref<512xf32, #tpu.memory_space<vmem_shared>>
      %dma_wait3A_210 = arith.constant 0 : i32
      %dma_wait3A_211 = tpu.memref_slice %arg19[%run_scoped3A_112, %dma_wait3A_210] : memref<16x512xf32, #tpu.memory_space<vmem>> -> memref<1x512xf32, #tpu.memory_space<vmem>>
      %dma_wait3A_212 = tpu.memref_squeeze %dma_wait3A_211 : memref<1x512xf32, #tpu.memory_space<vmem>> -> memref<512xf32, #tpu.memory_space<vmem>>
      %dma_wait3A_213 = tpu.memref_slice %arg22[%run_scoped3A_111, %mul3A_5] : memref<16x8192xf32, #tpu.memory_space<vmem_shared>> -> memref<1x512xf32, #tpu.memory_space<vmem_shared>>
      %dma_wait3A_214 = tpu.memref_squeeze %dma_wait3A_213 : memref<1x512xf32, #tpu.memory_space<vmem_shared>> -> memref<512xf32, #tpu.memory_space<vmem_shared>>
      tpu.wait_dma2 semaphore(%run_scoped3A_194 : memref<!tpu.dma_semaphore, #tpu.memory_space<semaphore_mem>>) src(%dma_wait3A_214 : memref<512xf32, #tpu.memory_space<vmem_shared>>) dst(%dma_wait3A_212 : memref<512xf32, #tpu.memory_space<vmem>>)
      tpu.yield
    }) : () -> ()
    %run_scoped3A_113 = arith.constant 7 : i32
    %run_scoped3A_114 = arith.constant 7 : i32
    "tpu.region"() ({
      %run_scoped3A_194 = tpu.sem_alloc : memref<!tpu.dma_semaphore, #tpu.memory_space<semaphore_mem>>
      %dma_start3A_195 = arith.constant 0 : i32
      %dma_start3A_196 = tpu.memref_slice %arg19[%run_scoped3A_114, %dma_start3A_195] : memref<16x512xf32, #tpu.memory_space<vmem>> -> memref<1x512xf32, #tpu.memory_space<vmem>>
      %dma_start3A_197 = tpu.memref_squeeze %dma_start3A_196 : memref<1x512xf32, #tpu.memory_space<vmem>> -> memref<512xf32, #tpu.memory_space<vmem>>
      %dma_start3A_198 = tpu.memref_slice %arg22[%run_scoped3A_113, %mul3A_5] : memref<16x8192xf32, #tpu.memory_space<vmem_shared>> -> memref<1x512xf32, #tpu.memory_space<vmem_shared>>
      %dma_start3A_199 = tpu.memref_squeeze %dma_start3A_198 : memref<1x512xf32, #tpu.memory_space<vmem_shared>> -> memref<512xf32, #tpu.memory_space<vmem_shared>>
      %dma_start3A_200 = arith.constant 0 : i32
      %dma_start3A_201 = tpu.memref_slice %arg19[%run_scoped3A_114, %dma_start3A_200] : memref<16x512xf32, #tpu.memory_space<vmem>> -> memref<1x512xf32, #tpu.memory_space<vmem>>
      %dma_start3A_202 = tpu.memref_squeeze %dma_start3A_201 : memref<1x512xf32, #tpu.memory_space<vmem>> -> memref<512xf32, #tpu.memory_space<vmem>>
      %dma_start3A_203 = tpu.memref_slice %arg22[%run_scoped3A_113, %mul3A_5] : memref<16x8192xf32, #tpu.memory_space<vmem_shared>> -> memref<1x512xf32, #tpu.memory_space<vmem_shared>>
      %dma_start3A_204 = tpu.memref_squeeze %dma_start3A_203 : memref<1x512xf32, #tpu.memory_space<vmem_shared>> -> memref<512xf32, #tpu.memory_space<vmem_shared>>
      tpu.enqueue_dma source(%dma_start3A_204 : memref<512xf32, #tpu.memory_space<vmem_shared>>) target(%dma_start3A_202 : memref<512xf32, #tpu.memory_space<vmem>>) target_semaphore(%run_scoped3A_194 : memref<!tpu.dma_semaphore, #tpu.memory_space<semaphore_mem>>)
      %dma_wait3A_205 = arith.constant 0 : i32
      %dma_wait3A_206 = tpu.memref_slice %arg19[%run_scoped3A_114, %dma_wait3A_205] : memref<16x512xf32, #tpu.memory_space<vmem>> -> memref<1x512xf32, #tpu.memory_space<vmem>>
      %dma_wait3A_207 = tpu.memref_squeeze %dma_wait3A_206 : memref<1x512xf32, #tpu.memory_space<vmem>> -> memref<512xf32, #tpu.memory_space<vmem>>
      %dma_wait3A_208 = tpu.memref_slice %arg22[%run_scoped3A_113, %mul3A_5] : memref<16x8192xf32, #tpu.memory_space<vmem_shared>> -> memref<1x512xf32, #tpu.memory_space<vmem_shared>>
      %dma_wait3A_209 = tpu.memref_squeeze %dma_wait3A_208 : memref<1x512xf32, #tpu.memory_space<vmem_shared>> -> memref<512xf32, #tpu.memory_space<vmem_shared>>
      %dma_wait3A_210 = arith.constant 0 : i32
      %dma_wait3A_211 = tpu.memref_slice %arg19[%run_scoped3A_114, %dma_wait3A_210] : memref<16x512xf32, #tpu.memory_space<vmem>> -> memref<1x512xf32, #tpu.memory_space<vmem>>
      %dma_wait3A_212 = tpu.memref_squeeze %dma_wait3A_211 : memref<1x512xf32, #tpu.memory_space<vmem>> -> memref<512xf32, #tpu.memory_space<vmem>>
      %dma_wait3A_213 = tpu.memref_slice %arg22[%run_scoped3A_113, %mul3A_5] : memref<16x8192xf32, #tpu.memory_space<vmem_shared>> -> memref<1x512xf32, #tpu.memory_space<vmem_shared>>
      %dma_wait3A_214 = tpu.memref_squeeze %dma_wait3A_213 : memref<1x512xf32, #tpu.memory_space<vmem_shared>> -> memref<512xf32, #tpu.memory_space<vmem_shared>>
      tpu.wait_dma2 semaphore(%run_scoped3A_194 : memref<!tpu.dma_semaphore, #tpu.memory_space<semaphore_mem>>) src(%dma_wait3A_214 : memref<512xf32, #tpu.memory_space<vmem_shared>>) dst(%dma_wait3A_212 : memref<512xf32, #tpu.memory_space<vmem>>)
      tpu.yield
    }) : () -> ()
    %run_scoped3A_115 = arith.constant 8 : i32
    %run_scoped3A_116 = arith.constant 8 : i32
    "tpu.region"() ({
      %run_scoped3A_194 = tpu.sem_alloc : memref<!tpu.dma_semaphore, #tpu.memory_space<semaphore_mem>>
      %dma_start3A_195 = arith.constant 0 : i32
      %dma_start3A_196 = tpu.memref_slice %arg19[%run_scoped3A_116, %dma_start3A_195] : memref<16x512xf32, #tpu.memory_space<vmem>> -> memref<1x512xf32, #tpu.memory_space<vmem>>
      %dma_start3A_197 = tpu.memref_squeeze %dma_start3A_196 : memref<1x512xf32, #tpu.memory_space<vmem>> -> memref<512xf32, #tpu.memory_space<vmem>>
      %dma_start3A_198 = tpu.memref_slice %arg22[%run_scoped3A_115, %mul3A_5] : memref<16x8192xf32, #tpu.memory_space<vmem_shared>> -> memref<1x512xf32, #tpu.memory_space<vmem_shared>>
      %dma_start3A_199 = tpu.memref_squeeze %dma_start3A_198 : memref<1x512xf32, #tpu.memory_space<vmem_shared>> -> memref<512xf32, #tpu.memory_space<vmem_shared>>
      %dma_start3A_200 = arith.constant 0 : i32
      %dma_start3A_201 = tpu.memref_slice %arg19[%run_scoped3A_116, %dma_start3A_200] : memref<16x512xf32, #tpu.memory_space<vmem>> -> memref<1x512xf32, #tpu.memory_space<vmem>>
      %dma_start3A_202 = tpu.memref_squeeze %dma_start3A_201 : memref<1x512xf32, #tpu.memory_space<vmem>> -> memref<512xf32, #tpu.memory_space<vmem>>
      %dma_start3A_203 = tpu.memref_slice %arg22[%run_scoped3A_115, %mul3A_5] : memref<16x8192xf32, #tpu.memory_space<vmem_shared>> -> memref<1x512xf32, #tpu.memory_space<vmem_shared>>
      %dma_start3A_204 = tpu.memref_squeeze %dma_start3A_203 : memref<1x512xf32, #tpu.memory_space<vmem_shared>> -> memref<512xf32, #tpu.memory_space<vmem_shared>>
      tpu.enqueue_dma source(%dma_start3A_204 : memref<512xf32, #tpu.memory_space<vmem_shared>>) target(%dma_start3A_202 : memref<512xf32, #tpu.memory_space<vmem>>) target_semaphore(%run_scoped3A_194 : memref<!tpu.dma_semaphore, #tpu.memory_space<semaphore_mem>>)
      %dma_wait3A_205 = arith.constant 0 : i32
      %dma_wait3A_206 = tpu.memref_slice %arg19[%run_scoped3A_116, %dma_wait3A_205] : memref<16x512xf32, #tpu.memory_space<vmem>> -> memref<1x512xf32, #tpu.memory_space<vmem>>
      %dma_wait3A_207 = tpu.memref_squeeze %dma_wait3A_206 : memref<1x512xf32, #tpu.memory_space<vmem>> -> memref<512xf32, #tpu.memory_space<vmem>>
      %dma_wait3A_208 = tpu.memref_slice %arg22[%run_scoped3A_115, %mul3A_5] : memref<16x8192xf32, #tpu.memory_space<vmem_shared>> -> memref<1x512xf32, #tpu.memory_space<vmem_shared>>
      %dma_wait3A_209 = tpu.memref_squeeze %dma_wait3A_208 : memref<1x512xf32, #tpu.memory_space<vmem_shared>> -> memref<512xf32, #tpu.memory_space<vmem_shared>>
      %dma_wait3A_210 = arith.constant 0 : i32
      %dma_wait3A_211 = tpu.memref_slice %arg19[%run_scoped3A_116, %dma_wait3A_210] : memref<16x512xf32, #tpu.memory_space<vmem>> -> memref<1x512xf32, #tpu.memory_space<vmem>>
      %dma_wait3A_212 = tpu.memref_squeeze %dma_wait3A_211 : memref<1x512xf32, #tpu.memory_space<vmem>> -> memref<512xf32, #tpu.memory_space<vmem>>
      %dma_wait3A_213 = tpu.memref_slice %arg22[%run_scoped3A_115, %mul3A_5] : memref<16x8192xf32, #tpu.memory_space<vmem_shared>> -> memref<1x512xf32, #tpu.memory_space<vmem_shared>>
      %dma_wait3A_214 = tpu.memref_squeeze %dma_wait3A_213 : memref<1x512xf32, #tpu.memory_space<vmem_shared>> -> memref<512xf32, #tpu.memory_space<vmem_shared>>
      tpu.wait_dma2 semaphore(%run_scoped3A_194 : memref<!tpu.dma_semaphore, #tpu.memory_space<semaphore_mem>>) src(%dma_wait3A_214 : memref<512xf32, #tpu.memory_space<vmem_shared>>) dst(%dma_wait3A_212 : memref<512xf32, #tpu.memory_space<vmem>>)
      tpu.yield
    }) : () -> ()
    %run_scoped3A_117 = arith.constant 9 : i32
    %run_scoped3A_118 = arith.constant 9 : i32
    "tpu.region"() ({
      %run_scoped3A_194 = tpu.sem_alloc : memref<!tpu.dma_semaphore, #tpu.memory_space<semaphore_mem>>
      %dma_start3A_195 = arith.constant 0 : i32
      %dma_start3A_196 = tpu.memref_slice %arg19[%run_scoped3A_118, %dma_start3A_195] : memref<16x512xf32, #tpu.memory_space<vmem>> -> memref<1x512xf32, #tpu.memory_space<vmem>>
      %dma_start3A_197 = tpu.memref_squeeze %dma_start3A_196 : memref<1x512xf32, #tpu.memory_space<vmem>> -> memref<512xf32, #tpu.memory_space<vmem>>
      %dma_start3A_198 = tpu.memref_slice %arg22[%run_scoped3A_117, %mul3A_5] : memref<16x8192xf32, #tpu.memory_space<vmem_shared>> -> memref<1x512xf32, #tpu.memory_space<vmem_shared>>
      %dma_start3A_199 = tpu.memref_squeeze %dma_start3A_198 : memref<1x512xf32, #tpu.memory_space<vmem_shared>> -> memref<512xf32, #tpu.memory_space<vmem_shared>>
      %dma_start3A_200 = arith.constant 0 : i32
      %dma_start3A_201 = tpu.memref_slice %arg19[%run_scoped3A_118, %dma_start3A_200] : memref<16x512xf32, #tpu.memory_space<vmem>> -> memref<1x512xf32, #tpu.memory_space<vmem>>
      %dma_start3A_202 = tpu.memref_squeeze %dma_start3A_201 : memref<1x512xf32, #tpu.memory_space<vmem>> -> memref<512xf32, #tpu.memory_space<vmem>>
      %dma_start3A_203 = tpu.memref_slice %arg22[%run_scoped3A_117, %mul3A_5] : memref<16x8192xf32, #tpu.memory_space<vmem_shared>> -> memref<1x512xf32, #tpu.memory_space<vmem_shared>>
      %dma_start3A_204 = tpu.memref_squeeze %dma_start3A_203 : memref<1x512xf32, #tpu.memory_space<vmem_shared>> -> memref<512xf32, #tpu.memory_space<vmem_shared>>
      tpu.enqueue_dma source(%dma_start3A_204 : memref<512xf32, #tpu.memory_space<vmem_shared>>) target(%dma_start3A_202 : memref<512xf32, #tpu.memory_space<vmem>>) target_semaphore(%run_scoped3A_194 : memref<!tpu.dma_semaphore, #tpu.memory_space<semaphore_mem>>)
      %dma_wait3A_205 = arith.constant 0 : i32
      %dma_wait3A_206 = tpu.memref_slice %arg19[%run_scoped3A_118, %dma_wait3A_205] : memref<16x512xf32, #tpu.memory_space<vmem>> -> memref<1x512xf32, #tpu.memory_space<vmem>>
      %dma_wait3A_207 = tpu.memref_squeeze %dma_wait3A_206 : memref<1x512xf32, #tpu.memory_space<vmem>> -> memref<512xf32, #tpu.memory_space<vmem>>
      %dma_wait3A_208 = tpu.memref_slice %arg22[%run_scoped3A_117, %mul3A_5] : memref<16x8192xf32, #tpu.memory_space<vmem_shared>> -> memref<1x512xf32, #tpu.memory_space<vmem_shared>>
      %dma_wait3A_209 = tpu.memref_squeeze %dma_wait3A_208 : memref<1x512xf32, #tpu.memory_space<vmem_shared>> -> memref<512xf32, #tpu.memory_space<vmem_shared>>
      %dma_wait3A_210 = arith.constant 0 : i32
      %dma_wait3A_211 = tpu.memref_slice %arg19[%run_scoped3A_118, %dma_wait3A_210] : memref<16x512xf32, #tpu.memory_space<vmem>> -> memref<1x512xf32, #tpu.memory_space<vmem>>
      %dma_wait3A_212 = tpu.memref_squeeze %dma_wait3A_211 : memref<1x512xf32, #tpu.memory_space<vmem>> -> memref<512xf32, #tpu.memory_space<vmem>>
      %dma_wait3A_213 = tpu.memref_slice %arg22[%run_scoped3A_117, %mul3A_5] : memref<16x8192xf32, #tpu.memory_space<vmem_shared>> -> memref<1x512xf32, #tpu.memory_space<vmem_shared>>
      %dma_wait3A_214 = tpu.memref_squeeze %dma_wait3A_213 : memref<1x512xf32, #tpu.memory_space<vmem_shared>> -> memref<512xf32, #tpu.memory_space<vmem_shared>>
      tpu.wait_dma2 semaphore(%run_scoped3A_194 : memref<!tpu.dma_semaphore, #tpu.memory_space<semaphore_mem>>) src(%dma_wait3A_214 : memref<512xf32, #tpu.memory_space<vmem_shared>>) dst(%dma_wait3A_212 : memref<512xf32, #tpu.memory_space<vmem>>)
      tpu.yield
    }) : () -> ()
    %run_scoped3A_119 = arith.constant 10 : i32
    %run_scoped3A_120 = arith.constant 10 : i32
    "tpu.region"() ({
      %run_scoped3A_194 = tpu.sem_alloc : memref<!tpu.dma_semaphore, #tpu.memory_space<semaphore_mem>>
      %dma_start3A_195 = arith.constant 0 : i32
      %dma_start3A_196 = tpu.memref_slice %arg19[%run_scoped3A_120, %dma_start3A_195] : memref<16x512xf32, #tpu.memory_space<vmem>> -> memref<1x512xf32, #tpu.memory_space<vmem>>
      %dma_start3A_197 = tpu.memref_squeeze %dma_start3A_196 : memref<1x512xf32, #tpu.memory_space<vmem>> -> memref<512xf32, #tpu.memory_space<vmem>>
      %dma_start3A_198 = tpu.memref_slice %arg22[%run_scoped3A_119, %mul3A_5] : memref<16x8192xf32, #tpu.memory_space<vmem_shared>> -> memref<1x512xf32, #tpu.memory_space<vmem_shared>>
      %dma_start3A_199 = tpu.memref_squeeze %dma_start3A_198 : memref<1x512xf32, #tpu.memory_space<vmem_shared>> -> memref<512xf32, #tpu.memory_space<vmem_shared>>
      %dma_start3A_200 = arith.constant 0 : i32
      %dma_start3A_201 = tpu.memref_slice %arg19[%run_scoped3A_120, %dma_start3A_200] : memref<16x512xf32, #tpu.memory_space<vmem>> -> memref<1x512xf32, #tpu.memory_space<vmem>>
      %dma_start3A_202 = tpu.memref_squeeze %dma_start3A_201 : memref<1x512xf32, #tpu.memory_space<vmem>> -> memref<512xf32, #tpu.memory_space<vmem>>
      %dma_start3A_203 = tpu.memref_slice %arg22[%run_scoped3A_119, %mul3A_5] : memref<16x8192xf32, #tpu.memory_space<vmem_shared>> -> memref<1x512xf32, #tpu.memory_space<vmem_shared>>
      %dma_start3A_204 = tpu.memref_squeeze %dma_start3A_203 : memref<1x512xf32, #tpu.memory_space<vmem_shared>> -> memref<512xf32, #tpu.memory_space<vmem_shared>>
      tpu.enqueue_dma source(%dma_start3A_204 : memref<512xf32, #tpu.memory_space<vmem_shared>>) target(%dma_start3A_202 : memref<512xf32, #tpu.memory_space<vmem>>) target_semaphore(%run_scoped3A_194 : memref<!tpu.dma_semaphore, #tpu.memory_space<semaphore_mem>>)
      %dma_wait3A_205 = arith.constant 0 : i32
      %dma_wait3A_206 = tpu.memref_slice %arg19[%run_scoped3A_120, %dma_wait3A_205] : memref<16x512xf32, #tpu.memory_space<vmem>> -> memref<1x512xf32, #tpu.memory_space<vmem>>
      %dma_wait3A_207 = tpu.memref_squeeze %dma_wait3A_206 : memref<1x512xf32, #tpu.memory_space<vmem>> -> memref<512xf32, #tpu.memory_space<vmem>>
      %dma_wait3A_208 = tpu.memref_slice %arg22[%run_scoped3A_119, %mul3A_5] : memref<16x8192xf32, #tpu.memory_space<vmem_shared>> -> memref<1x512xf32, #tpu.memory_space<vmem_shared>>
      %dma_wait3A_209 = tpu.memref_squeeze %dma_wait3A_208 : memref<1x512xf32, #tpu.memory_space<vmem_shared>> -> memref<512xf32, #tpu.memory_space<vmem_shared>>
      %dma_wait3A_210 = arith.constant 0 : i32
      %dma_wait3A_211 = tpu.memref_slice %arg19[%run_scoped3A_120, %dma_wait3A_210] : memref<16x512xf32, #tpu.memory_space<vmem>> -> memref<1x512xf32, #tpu.memory_space<vmem>>
      %dma_wait3A_212 = tpu.memref_squeeze %dma_wait3A_211 : memref<1x512xf32, #tpu.memory_space<vmem>> -> memref<512xf32, #tpu.memory_space<vmem>>
      %dma_wait3A_213 = tpu.memref_slice %arg22[%run_scoped3A_119, %mul3A_5] : memref<16x8192xf32, #tpu.memory_space<vmem_shared>> -> memref<1x512xf32, #tpu.memory_space<vmem_shared>>
      %dma_wait3A_214 = tpu.memref_squeeze %dma_wait3A_213 : memref<1x512xf32, #tpu.memory_space<vmem_shared>> -> memref<512xf32, #tpu.memory_space<vmem_shared>>
      tpu.wait_dma2 semaphore(%run_scoped3A_194 : memref<!tpu.dma_semaphore, #tpu.memory_space<semaphore_mem>>) src(%dma_wait3A_214 : memref<512xf32, #tpu.memory_space<vmem_shared>>) dst(%dma_wait3A_212 : memref<512xf32, #tpu.memory_space<vmem>>)
      tpu.yield
    }) : () -> ()
    %run_scoped3A_121 = arith.constant 11 : i32
    %run_scoped3A_122 = arith.constant 11 : i32
    "tpu.region"() ({
      %run_scoped3A_194 = tpu.sem_alloc : memref<!tpu.dma_semaphore, #tpu.memory_space<semaphore_mem>>
      %dma_start3A_195 = arith.constant 0 : i32
      %dma_start3A_196 = tpu.memref_slice %arg19[%run_scoped3A_122, %dma_start3A_195] : memref<16x512xf32, #tpu.memory_space<vmem>> -> memref<1x512xf32, #tpu.memory_space<vmem>>
      %dma_start3A_197 = tpu.memref_squeeze %dma_start3A_196 : memref<1x512xf32, #tpu.memory_space<vmem>> -> memref<512xf32, #tpu.memory_space<vmem>>
      %dma_start3A_198 = tpu.memref_slice %arg22[%run_scoped3A_121, %mul3A_5] : memref<16x8192xf32, #tpu.memory_space<vmem_shared>> -> memref<1x512xf32, #tpu.memory_space<vmem_shared>>
      %dma_start3A_199 = tpu.memref_squeeze %dma_start3A_198 : memref<1x512xf32, #tpu.memory_space<vmem_shared>> -> memref<512xf32, #tpu.memory_space<vmem_shared>>
      %dma_start3A_200 = arith.constant 0 : i32
      %dma_start3A_201 = tpu.memref_slice %arg19[%run_scoped3A_122, %dma_start3A_200] : memref<16x512xf32, #tpu.memory_space<vmem>> -> memref<1x512xf32, #tpu.memory_space<vmem>>
      %dma_start3A_202 = tpu.memref_squeeze %dma_start3A_201 : memref<1x512xf32, #tpu.memory_space<vmem>> -> memref<512xf32, #tpu.memory_space<vmem>>
      %dma_start3A_203 = tpu.memref_slice %arg22[%run_scoped3A_121, %mul3A_5] : memref<16x8192xf32, #tpu.memory_space<vmem_shared>> -> memref<1x512xf32, #tpu.memory_space<vmem_shared>>
      %dma_start3A_204 = tpu.memref_squeeze %dma_start3A_203 : memref<1x512xf32, #tpu.memory_space<vmem_shared>> -> memref<512xf32, #tpu.memory_space<vmem_shared>>
      tpu.enqueue_dma source(%dma_start3A_204 : memref<512xf32, #tpu.memory_space<vmem_shared>>) target(%dma_start3A_202 : memref<512xf32, #tpu.memory_space<vmem>>) target_semaphore(%run_scoped3A_194 : memref<!tpu.dma_semaphore, #tpu.memory_space<semaphore_mem>>)
      %dma_wait3A_205 = arith.constant 0 : i32
      %dma_wait3A_206 = tpu.memref_slice %arg19[%run_scoped3A_122, %dma_wait3A_205] : memref<16x512xf32, #tpu.memory_space<vmem>> -> memref<1x512xf32, #tpu.memory_space<vmem>>
      %dma_wait3A_207 = tpu.memref_squeeze %dma_wait3A_206 : memref<1x512xf32, #tpu.memory_space<vmem>> -> memref<512xf32, #tpu.memory_space<vmem>>
      %dma_wait3A_208 = tpu.memref_slice %arg22[%run_scoped3A_121, %mul3A_5] : memref<16x8192xf32, #tpu.memory_space<vmem_shared>> -> memref<1x512xf32, #tpu.memory_space<vmem_shared>>
      %dma_wait3A_209 = tpu.memref_squeeze %dma_wait3A_208 : memref<1x512xf32, #tpu.memory_space<vmem_shared>> -> memref<512xf32, #tpu.memory_space<vmem_shared>>
      %dma_wait3A_210 = arith.constant 0 : i32
      %dma_wait3A_211 = tpu.memref_slice %arg19[%run_scoped3A_122, %dma_wait3A_210] : memref<16x512xf32, #tpu.memory_space<vmem>> -> memref<1x512xf32, #tpu.memory_space<vmem>>
      %dma_wait3A_212 = tpu.memref_squeeze %dma_wait3A_211 : memref<1x512xf32, #tpu.memory_space<vmem>> -> memref<512xf32, #tpu.memory_space<vmem>>
      %dma_wait3A_213 = tpu.memref_slice %arg22[%run_scoped3A_121, %mul3A_5] : memref<16x8192xf32, #tpu.memory_space<vmem_shared>> -> memref<1x512xf32, #tpu.memory_space<vmem_shared>>
      %dma_wait3A_214 = tpu.memref_squeeze %dma_wait3A_213 : memref<1x512xf32, #tpu.memory_space<vmem_shared>> -> memref<512xf32, #tpu.memory_space<vmem_shared>>
      tpu.wait_dma2 semaphore(%run_scoped3A_194 : memref<!tpu.dma_semaphore, #tpu.memory_space<semaphore_mem>>) src(%dma_wait3A_214 : memref<512xf32, #tpu.memory_space<vmem_shared>>) dst(%dma_wait3A_212 : memref<512xf32, #tpu.memory_space<vmem>>)
      tpu.yield
    }) : () -> ()
    %run_scoped3A_123 = arith.constant 12 : i32
    %run_scoped3A_124 = arith.constant 12 : i32
    "tpu.region"() ({
      %run_scoped3A_194 = tpu.sem_alloc : memref<!tpu.dma_semaphore, #tpu.memory_space<semaphore_mem>>
      %dma_start3A_195 = arith.constant 0 : i32
      %dma_start3A_196 = tpu.memref_slice %arg19[%run_scoped3A_124, %dma_start3A_195] : memref<16x512xf32, #tpu.memory_space<vmem>> -> memref<1x512xf32, #tpu.memory_space<vmem>>
      %dma_start3A_197 = tpu.memref_squeeze %dma_start3A_196 : memref<1x512xf32, #tpu.memory_space<vmem>> -> memref<512xf32, #tpu.memory_space<vmem>>
      %dma_start3A_198 = tpu.memref_slice %arg22[%run_scoped3A_123, %mul3A_5] : memref<16x8192xf32, #tpu.memory_space<vmem_shared>> -> memref<1x512xf32, #tpu.memory_space<vmem_shared>>
      %dma_start3A_199 = tpu.memref_squeeze %dma_start3A_198 : memref<1x512xf32, #tpu.memory_space<vmem_shared>> -> memref<512xf32, #tpu.memory_space<vmem_shared>>
      %dma_start3A_200 = arith.constant 0 : i32
      %dma_start3A_201 = tpu.memref_slice %arg19[%run_scoped3A_124, %dma_start3A_200] : memref<16x512xf32, #tpu.memory_space<vmem>> -> memref<1x512xf32, #tpu.memory_space<vmem>>
      %dma_start3A_202 = tpu.memref_squeeze %dma_start3A_201 : memref<1x512xf32, #tpu.memory_space<vmem>> -> memref<512xf32, #tpu.memory_space<vmem>>
      %dma_start3A_203 = tpu.memref_slice %arg22[%run_scoped3A_123, %mul3A_5] : memref<16x8192xf32, #tpu.memory_space<vmem_shared>> -> memref<1x512xf32, #tpu.memory_space<vmem_shared>>
      %dma_start3A_204 = tpu.memref_squeeze %dma_start3A_203 : memref<1x512xf32, #tpu.memory_space<vmem_shared>> -> memref<512xf32, #tpu.memory_space<vmem_shared>>
      tpu.enqueue_dma source(%dma_start3A_204 : memref<512xf32, #tpu.memory_space<vmem_shared>>) target(%dma_start3A_202 : memref<512xf32, #tpu.memory_space<vmem>>) target_semaphore(%run_scoped3A_194 : memref<!tpu.dma_semaphore, #tpu.memory_space<semaphore_mem>>)
      %dma_wait3A_205 = arith.constant 0 : i32
      %dma_wait3A_206 = tpu.memref_slice %arg19[%run_scoped3A_124, %dma_wait3A_205] : memref<16x512xf32, #tpu.memory_space<vmem>> -> memref<1x512xf32, #tpu.memory_space<vmem>>
      %dma_wait3A_207 = tpu.memref_squeeze %dma_wait3A_206 : memref<1x512xf32, #tpu.memory_space<vmem>> -> memref<512xf32, #tpu.memory_space<vmem>>
      %dma_wait3A_208 = tpu.memref_slice %arg22[%run_scoped3A_123, %mul3A_5] : memref<16x8192xf32, #tpu.memory_space<vmem_shared>> -> memref<1x512xf32, #tpu.memory_space<vmem_shared>>
      %dma_wait3A_209 = tpu.memref_squeeze %dma_wait3A_208 : memref<1x512xf32, #tpu.memory_space<vmem_shared>> -> memref<512xf32, #tpu.memory_space<vmem_shared>>
      %dma_wait3A_210 = arith.constant 0 : i32
      %dma_wait3A_211 = tpu.memref_slice %arg19[%run_scoped3A_124, %dma_wait3A_210] : memref<16x512xf32, #tpu.memory_space<vmem>> -> memref<1x512xf32, #tpu.memory_space<vmem>>
      %dma_wait3A_212 = tpu.memref_squeeze %dma_wait3A_211 : memref<1x512xf32, #tpu.memory_space<vmem>> -> memref<512xf32, #tpu.memory_space<vmem>>
      %dma_wait3A_213 = tpu.memref_slice %arg22[%run_scoped3A_123, %mul3A_5] : memref<16x8192xf32, #tpu.memory_space<vmem_shared>> -> memref<1x512xf32, #tpu.memory_space<vmem_shared>>
      %dma_wait3A_214 = tpu.memref_squeeze %dma_wait3A_213 : memref<1x512xf32, #tpu.memory_space<vmem_shared>> -> memref<512xf32, #tpu.memory_space<vmem_shared>>
      tpu.wait_dma2 semaphore(%run_scoped3A_194 : memref<!tpu.dma_semaphore, #tpu.memory_space<semaphore_mem>>) src(%dma_wait3A_214 : memref<512xf32, #tpu.memory_space<vmem_shared>>) dst(%dma_wait3A_212 : memref<512xf32, #tpu.memory_space<vmem>>)
      tpu.yield
    }) : () -> ()
    %run_scoped3A_125 = arith.constant 13 : i32
    %run_scoped3A_126 = arith.constant 13 : i32
    "tpu.region"() ({
      %run_scoped3A_194 = tpu.sem_alloc : memref<!tpu.dma_semaphore, #tpu.memory_space<semaphore_mem>>
      %dma_start3A_195 = arith.constant 0 : i32
      %dma_start3A_196 = tpu.memref_slice %arg19[%run_scoped3A_126, %dma_start3A_195] : memref<16x512xf32, #tpu.memory_space<vmem>> -> memref<1x512xf32, #tpu.memory_space<vmem>>
      %dma_start3A_197 = tpu.memref_squeeze %dma_start3A_196 : memref<1x512xf32, #tpu.memory_space<vmem>> -> memref<512xf32, #tpu.memory_space<vmem>>
      %dma_start3A_198 = tpu.memref_slice %arg22[%run_scoped3A_125, %mul3A_5] : memref<16x8192xf32, #tpu.memory_space<vmem_shared>> -> memref<1x512xf32, #tpu.memory_space<vmem_shared>>
      %dma_start3A_199 = tpu.memref_squeeze %dma_start3A_198 : memref<1x512xf32, #tpu.memory_space<vmem_shared>> -> memref<512xf32, #tpu.memory_space<vmem_shared>>
      %dma_start3A_200 = arith.constant 0 : i32
      %dma_start3A_201 = tpu.memref_slice %arg19[%run_scoped3A_126, %dma_start3A_200] : memref<16x512xf32, #tpu.memory_space<vmem>> -> memref<1x512xf32, #tpu.memory_space<vmem>>
      %dma_start3A_202 = tpu.memref_squeeze %dma_start3A_201 : memref<1x512xf32, #tpu.memory_space<vmem>> -> memref<512xf32, #tpu.memory_space<vmem>>
      %dma_start3A_203 = tpu.memref_slice %arg22[%run_scoped3A_125, %mul3A_5] : memref<16x8192xf32, #tpu.memory_space<vmem_shared>> -> memref<1x512xf32, #tpu.memory_space<vmem_shared>>
      %dma_start3A_204 = tpu.memref_squeeze %dma_start3A_203 : memref<1x512xf32, #tpu.memory_space<vmem_shared>> -> memref<512xf32, #tpu.memory_space<vmem_shared>>
      tpu.enqueue_dma source(%dma_start3A_204 : memref<512xf32, #tpu.memory_space<vmem_shared>>) target(%dma_start3A_202 : memref<512xf32, #tpu.memory_space<vmem>>) target_semaphore(%run_scoped3A_194 : memref<!tpu.dma_semaphore, #tpu.memory_space<semaphore_mem>>)
      %dma_wait3A_205 = arith.constant 0 : i32
      %dma_wait3A_206 = tpu.memref_slice %arg19[%run_scoped3A_126, %dma_wait3A_205] : memref<16x512xf32, #tpu.memory_space<vmem>> -> memref<1x512xf32, #tpu.memory_space<vmem>>
      %dma_wait3A_207 = tpu.memref_squeeze %dma_wait3A_206 : memref<1x512xf32, #tpu.memory_space<vmem>> -> memref<512xf32, #tpu.memory_space<vmem>>
      %dma_wait3A_208 = tpu.memref_slice %arg22[%run_scoped3A_125, %mul3A_5] : memref<16x8192xf32, #tpu.memory_space<vmem_shared>> -> memref<1x512xf32, #tpu.memory_space<vmem_shared>>
      %dma_wait3A_209 = tpu.memref_squeeze %dma_wait3A_208 : memref<1x512xf32, #tpu.memory_space<vmem_shared>> -> memref<512xf32, #tpu.memory_space<vmem_shared>>
      %dma_wait3A_210 = arith.constant 0 : i32
      %dma_wait3A_211 = tpu.memref_slice %arg19[%run_scoped3A_126, %dma_wait3A_210] : memref<16x512xf32, #tpu.memory_space<vmem>> -> memref<1x512xf32, #tpu.memory_space<vmem>>
      %dma_wait3A_212 = tpu.memref_squeeze %dma_wait3A_211 : memref<1x512xf32, #tpu.memory_space<vmem>> -> memref<512xf32, #tpu.memory_space<vmem>>
      %dma_wait3A_213 = tpu.memref_slice %arg22[%run_scoped3A_125, %mul3A_5] : memref<16x8192xf32, #tpu.memory_space<vmem_shared>> -> memref<1x512xf32, #tpu.memory_space<vmem_shared>>
      %dma_wait3A_214 = tpu.memref_squeeze %dma_wait3A_213 : memref<1x512xf32, #tpu.memory_space<vmem_shared>> -> memref<512xf32, #tpu.memory_space<vmem_shared>>
      tpu.wait_dma2 semaphore(%run_scoped3A_194 : memref<!tpu.dma_semaphore, #tpu.memory_space<semaphore_mem>>) src(%dma_wait3A_214 : memref<512xf32, #tpu.memory_space<vmem_shared>>) dst(%dma_wait3A_212 : memref<512xf32, #tpu.memory_space<vmem>>)
      tpu.yield
    }) : () -> ()
    %run_scoped3A_127 = arith.constant 14 : i32
    %run_scoped3A_128 = arith.constant 14 : i32
    "tpu.region"() ({
      %run_scoped3A_194 = tpu.sem_alloc : memref<!tpu.dma_semaphore, #tpu.memory_space<semaphore_mem>>
      %dma_start3A_195 = arith.constant 0 : i32
      %dma_start3A_196 = tpu.memref_slice %arg19[%run_scoped3A_128, %dma_start3A_195] : memref<16x512xf32, #tpu.memory_space<vmem>> -> memref<1x512xf32, #tpu.memory_space<vmem>>
      %dma_start3A_197 = tpu.memref_squeeze %dma_start3A_196 : memref<1x512xf32, #tpu.memory_space<vmem>> -> memref<512xf32, #tpu.memory_space<vmem>>
      %dma_start3A_198 = tpu.memref_slice %arg22[%run_scoped3A_127, %mul3A_5] : memref<16x8192xf32, #tpu.memory_space<vmem_shared>> -> memref<1x512xf32, #tpu.memory_space<vmem_shared>>
      %dma_start3A_199 = tpu.memref_squeeze %dma_start3A_198 : memref<1x512xf32, #tpu.memory_space<vmem_shared>> -> memref<512xf32, #tpu.memory_space<vmem_shared>>
      %dma_start3A_200 = arith.constant 0 : i32
      %dma_start3A_201 = tpu.memref_slice %arg19[%run_scoped3A_128, %dma_start3A_200] : memref<16x512xf32, #tpu.memory_space<vmem>> -> memref<1x512xf32, #tpu.memory_space<vmem>>
      %dma_start3A_202 = tpu.memref_squeeze %dma_start3A_201 : memref<1x512xf32, #tpu.memory_space<vmem>> -> memref<512xf32, #tpu.memory_space<vmem>>
      %dma_start3A_203 = tpu.memref_slice %arg22[%run_scoped3A_127, %mul3A_5] : memref<16x8192xf32, #tpu.memory_space<vmem_shared>> -> memref<1x512xf32, #tpu.memory_space<vmem_shared>>
      %dma_start3A_204 = tpu.memref_squeeze %dma_start3A_203 : memref<1x512xf32, #tpu.memory_space<vmem_shared>> -> memref<512xf32, #tpu.memory_space<vmem_shared>>
      tpu.enqueue_dma source(%dma_start3A_204 : memref<512xf32, #tpu.memory_space<vmem_shared>>) target(%dma_start3A_202 : memref<512xf32, #tpu.memory_space<vmem>>) target_semaphore(%run_scoped3A_194 : memref<!tpu.dma_semaphore, #tpu.memory_space<semaphore_mem>>)
      %dma_wait3A_205 = arith.constant 0 : i32
      %dma_wait3A_206 = tpu.memref_slice %arg19[%run_scoped3A_128, %dma_wait3A_205] : memref<16x512xf32, #tpu.memory_space<vmem>> -> memref<1x512xf32, #tpu.memory_space<vmem>>
      %dma_wait3A_207 = tpu.memref_squeeze %dma_wait3A_206 : memref<1x512xf32, #tpu.memory_space<vmem>> -> memref<512xf32, #tpu.memory_space<vmem>>
      %dma_wait3A_208 = tpu.memref_slice %arg22[%run_scoped3A_127, %mul3A_5] : memref<16x8192xf32, #tpu.memory_space<vmem_shared>> -> memref<1x512xf32, #tpu.memory_space<vmem_shared>>
      %dma_wait3A_209 = tpu.memref_squeeze %dma_wait3A_208 : memref<1x512xf32, #tpu.memory_space<vmem_shared>> -> memref<512xf32, #tpu.memory_space<vmem_shared>>
      %dma_wait3A_210 = arith.constant 0 : i32
      %dma_wait3A_211 = tpu.memref_slice %arg19[%run_scoped3A_128, %dma_wait3A_210] : memref<16x512xf32, #tpu.memory_space<vmem>> -> memref<1x512xf32, #tpu.memory_space<vmem>>
      %dma_wait3A_212 = tpu.memref_squeeze %dma_wait3A_211 : memref<1x512xf32, #tpu.memory_space<vmem>> -> memref<512xf32, #tpu.memory_space<vmem>>
      %dma_wait3A_213 = tpu.memref_slice %arg22[%run_scoped3A_127, %mul3A_5] : memref<16x8192xf32, #tpu.memory_space<vmem_shared>> -> memref<1x512xf32, #tpu.memory_space<vmem_shared>>
      %dma_wait3A_214 = tpu.memref_squeeze %dma_wait3A_213 : memref<1x512xf32, #tpu.memory_space<vmem_shared>> -> memref<512xf32, #tpu.memory_space<vmem_shared>>
      tpu.wait_dma2 semaphore(%run_scoped3A_194 : memref<!tpu.dma_semaphore, #tpu.memory_space<semaphore_mem>>) src(%dma_wait3A_214 : memref<512xf32, #tpu.memory_space<vmem_shared>>) dst(%dma_wait3A_212 : memref<512xf32, #tpu.memory_space<vmem>>)
      tpu.yield
    }) : () -> ()
    %run_scoped3A_129 = arith.constant 15 : i32
    %run_scoped3A_130 = arith.constant 15 : i32
    "tpu.region"() ({
      %run_scoped3A_194 = tpu.sem_alloc : memref<!tpu.dma_semaphore, #tpu.memory_space<semaphore_mem>>
      %dma_start3A_195 = arith.constant 0 : i32
      %dma_start3A_196 = tpu.memref_slice %arg19[%run_scoped3A_130, %dma_start3A_195] : memref<16x512xf32, #tpu.memory_space<vmem>> -> memref<1x512xf32, #tpu.memory_space<vmem>>
      %dma_start3A_197 = tpu.memref_squeeze %dma_start3A_196 : memref<1x512xf32, #tpu.memory_space<vmem>> -> memref<512xf32, #tpu.memory_space<vmem>>
      %dma_start3A_198 = tpu.memref_slice %arg22[%run_scoped3A_129, %mul3A_5] : memref<16x8192xf32, #tpu.memory_space<vmem_shared>> -> memref<1x512xf32, #tpu.memory_space<vmem_shared>>
      %dma_start3A_199 = tpu.memref_squeeze %dma_start3A_198 : memref<1x512xf32, #tpu.memory_space<vmem_shared>> -> memref<512xf32, #tpu.memory_space<vmem_shared>>
      %dma_start3A_200 = arith.constant 0 : i32
      %dma_start3A_201 = tpu.memref_slice %arg19[%run_scoped3A_130, %dma_start3A_200] : memref<16x512xf32, #tpu.memory_space<vmem>> -> memref<1x512xf32, #tpu.memory_space<vmem>>
      %dma_start3A_202 = tpu.memref_squeeze %dma_start3A_201 : memref<1x512xf32, #tpu.memory_space<vmem>> -> memref<512xf32, #tpu.memory_space<vmem>>
      %dma_start3A_203 = tpu.memref_slice %arg22[%run_scoped3A_129, %mul3A_5] : memref<16x8192xf32, #tpu.memory_space<vmem_shared>> -> memref<1x512xf32, #tpu.memory_space<vmem_shared>>
      %dma_start3A_204 = tpu.memref_squeeze %dma_start3A_203 : memref<1x512xf32, #tpu.memory_space<vmem_shared>> -> memref<512xf32, #tpu.memory_space<vmem_shared>>
      tpu.enqueue_dma source(%dma_start3A_204 : memref<512xf32, #tpu.memory_space<vmem_shared>>) target(%dma_start3A_202 : memref<512xf32, #tpu.memory_space<vmem>>) target_semaphore(%run_scoped3A_194 : memref<!tpu.dma_semaphore, #tpu.memory_space<semaphore_mem>>)
      %dma_wait3A_205 = arith.constant 0 : i32
      %dma_wait3A_206 = tpu.memref_slice %arg19[%run_scoped3A_130, %dma_wait3A_205] : memref<16x512xf32, #tpu.memory_space<vmem>> -> memref<1x512xf32, #tpu.memory_space<vmem>>
      %dma_wait3A_207 = tpu.memref_squeeze %dma_wait3A_206 : memref<1x512xf32, #tpu.memory_space<vmem>> -> memref<512xf32, #tpu.memory_space<vmem>>
      %dma_wait3A_208 = tpu.memref_slice %arg22[%run_scoped3A_129, %mul3A_5] : memref<16x8192xf32, #tpu.memory_space<vmem_shared>> -> memref<1x512xf32, #tpu.memory_space<vmem_shared>>
      %dma_wait3A_209 = tpu.memref_squeeze %dma_wait3A_208 : memref<1x512xf32, #tpu.memory_space<vmem_shared>> -> memref<512xf32, #tpu.memory_space<vmem_shared>>
      %dma_wait3A_210 = arith.constant 0 : i32
      %dma_wait3A_211 = tpu.memref_slice %arg19[%run_scoped3A_130, %dma_wait3A_210] : memref<16x512xf32, #tpu.memory_space<vmem>> -> memref<1x512xf32, #tpu.memory_space<vmem>>
      %dma_wait3A_212 = tpu.memref_squeeze %dma_wait3A_211 : memref<1x512xf32, #tpu.memory_space<vmem>> -> memref<512xf32, #tpu.memory_space<vmem>>
      %dma_wait3A_213 = tpu.memref_slice %arg22[%run_scoped3A_129, %mul3A_5] : memref<16x8192xf32, #tpu.memory_space<vmem_shared>> -> memref<1x512xf32, #tpu.memory_space<vmem_shared>>
      %dma_wait3A_214 = tpu.memref_squeeze %dma_wait3A_213 : memref<1x512xf32, #tpu.memory_space<vmem_shared>> -> memref<512xf32, #tpu.memory_space<vmem_shared>>
      tpu.wait_dma2 semaphore(%run_scoped3A_194 : memref<!tpu.dma_semaphore, #tpu.memory_space<semaphore_mem>>) src(%dma_wait3A_214 : memref<512xf32, #tpu.memory_space<vmem_shared>>) dst(%dma_wait3A_212 : memref<512xf32, #tpu.memory_space<vmem>>)
      tpu.yield
    }) : () -> ()
    %dma_wait3A = arith.constant 0 : i32
    %dma_wait3A_131 = arith.constant 0 : i32
    %dma_wait3A_132 = tpu.memref_slice %arg16[%dma_wait3A, %dma_wait3A_131] : memref<4x128xf32, #tpu.memory_space<vmem>> -> memref<1x128xf32, #tpu.memory_space<vmem>>
    %dma_wait3A_133 = tpu.memref_squeeze %dma_wait3A_132 : memref<1x128xf32, #tpu.memory_space<vmem>> -> memref<128xf32, #tpu.memory_space<vmem>>
    %dma_wait3A_134 = tpu.memref_slice %arg10[%add3A_12] : memref<8192xi32, #tpu.memory_space<vmem>> -> memref<128xi32, #tpu.memory_space<vmem>>
    %dma_wait3A_135 = arith.constant 0 : i32
    %dma_wait3A_136 = tpu.memref_slice %arg6[%dma_wait3A_135] : memref<100000xf32, #tpu.memory_space<hbm>> -> memref<100000xf32, #tpu.memory_space<hbm>>
    tpu.wait_indirect_dma semaphore(%arg25 : memref<!tpu.dma_semaphore, #tpu.memory_space<semaphore_mem>>) src(%dma_wait3A_136 : memref<100000xf32, #tpu.memory_space<hbm>>) dst(%dma_wait3A_133 : memref<128xf32, #tpu.memory_space<vmem>>)
    %dma_wait3A_137 = arith.constant 0 : i32
    %dma_wait3A_138 = arith.constant 0 : i32
    %dma_wait3A_139 = tpu.memref_slice %arg17[%dma_wait3A_137, %dma_wait3A_138] : memref<4x128xf32, #tpu.memory_space<vmem>> -> memref<1x128xf32, #tpu.memory_space<vmem>>
    %dma_wait3A_140 = tpu.memref_squeeze %dma_wait3A_139 : memref<1x128xf32, #tpu.memory_space<vmem>> -> memref<128xf32, #tpu.memory_space<vmem>>
    %dma_wait3A_141 = tpu.memref_slice %arg11[%add3A_20] : memref<8192xi32, #tpu.memory_space<vmem>> -> memref<128xi32, #tpu.memory_space<vmem>>
    %dma_wait3A_142 = arith.constant 0 : i32
    %dma_wait3A_143 = tpu.memref_slice %arg7[%dma_wait3A_142] : memref<100000xf32, #tpu.memory_space<hbm>> -> memref<100000xf32, #tpu.memory_space<hbm>>
    tpu.wait_indirect_dma semaphore(%arg25 : memref<!tpu.dma_semaphore, #tpu.memory_space<semaphore_mem>>) src(%dma_wait3A_143 : memref<100000xf32, #tpu.memory_space<hbm>>) dst(%dma_wait3A_140 : memref<128xf32, #tpu.memory_space<vmem>>)
    %dma_wait3A_144 = arith.constant 1 : i32
    %dma_wait3A_145 = arith.constant 0 : i32
    %dma_wait3A_146 = tpu.memref_slice %arg16[%dma_wait3A_144, %dma_wait3A_145] : memref<4x128xf32, #tpu.memory_space<vmem>> -> memref<1x128xf32, #tpu.memory_space<vmem>>
    %dma_wait3A_147 = tpu.memref_squeeze %dma_wait3A_146 : memref<1x128xf32, #tpu.memory_space<vmem>> -> memref<128xf32, #tpu.memory_space<vmem>>
    %dma_wait3A_148 = tpu.memref_slice %arg10[%add3A_29] : memref<8192xi32, #tpu.memory_space<vmem>> -> memref<128xi32, #tpu.memory_space<vmem>>
    %dma_wait3A_149 = arith.constant 0 : i32
    %dma_wait3A_150 = tpu.memref_slice %arg6[%dma_wait3A_149] : memref<100000xf32, #tpu.memory_space<hbm>> -> memref<100000xf32, #tpu.memory_space<hbm>>
    tpu.wait_indirect_dma semaphore(%arg25 : memref<!tpu.dma_semaphore, #tpu.memory_space<semaphore_mem>>) src(%dma_wait3A_150 : memref<100000xf32, #tpu.memory_space<hbm>>) dst(%dma_wait3A_147 : memref<128xf32, #tpu.memory_space<vmem>>)
    %dma_wait3A_151 = arith.constant 1 : i32
    %dma_wait3A_152 = arith.constant 0 : i32
    %dma_wait3A_153 = tpu.memref_slice %arg17[%dma_wait3A_151, %dma_wait3A_152] : memref<4x128xf32, #tpu.memory_space<vmem>> -> memref<1x128xf32, #tpu.memory_space<vmem>>
    %dma_wait3A_154 = tpu.memref_squeeze %dma_wait3A_153 : memref<1x128xf32, #tpu.memory_space<vmem>> -> memref<128xf32, #tpu.memory_space<vmem>>
    %dma_wait3A_155 = tpu.memref_slice %arg11[%add3A_38] : memref<8192xi32, #tpu.memory_space<vmem>> -> memref<128xi32, #tpu.memory_space<vmem>>
    %dma_wait3A_156 = arith.constant 0 : i32
    %dma_wait3A_157 = tpu.memref_slice %arg7[%dma_wait3A_156] : memref<100000xf32, #tpu.memory_space<hbm>> -> memref<100000xf32, #tpu.memory_space<hbm>>
    tpu.wait_indirect_dma semaphore(%arg25 : memref<!tpu.dma_semaphore, #tpu.memory_space<semaphore_mem>>) src(%dma_wait3A_157 : memref<100000xf32, #tpu.memory_space<hbm>>) dst(%dma_wait3A_154 : memref<128xf32, #tpu.memory_space<vmem>>)
    %dma_wait3A_158 = arith.constant 2 : i32
    %dma_wait3A_159 = arith.constant 0 : i32
    %dma_wait3A_160 = tpu.memref_slice %arg16[%dma_wait3A_158, %dma_wait3A_159] : memref<4x128xf32, #tpu.memory_space<vmem>> -> memref<1x128xf32, #tpu.memory_space<vmem>>
    %dma_wait3A_161 = tpu.memref_squeeze %dma_wait3A_160 : memref<1x128xf32, #tpu.memory_space<vmem>> -> memref<128xf32, #tpu.memory_space<vmem>>
    %dma_wait3A_162 = tpu.memref_slice %arg10[%add3A_47] : memref<8192xi32, #tpu.memory_space<vmem>> -> memref<128xi32, #tpu.memory_space<vmem>>
    %dma_wait3A_163 = arith.constant 0 : i32
    %dma_wait3A_164 = tpu.memref_slice %arg6[%dma_wait3A_163] : memref<100000xf32, #tpu.memory_space<hbm>> -> memref<100000xf32, #tpu.memory_space<hbm>>
    tpu.wait_indirect_dma semaphore(%arg25 : memref<!tpu.dma_semaphore, #tpu.memory_space<semaphore_mem>>) src(%dma_wait3A_164 : memref<100000xf32, #tpu.memory_space<hbm>>) dst(%dma_wait3A_161 : memref<128xf32, #tpu.memory_space<vmem>>)
    %dma_wait3A_165 = arith.constant 2 : i32
    %dma_wait3A_166 = arith.constant 0 : i32
    %dma_wait3A_167 = tpu.memref_slice %arg17[%dma_wait3A_165, %dma_wait3A_166] : memref<4x128xf32, #tpu.memory_space<vmem>> -> memref<1x128xf32, #tpu.memory_space<vmem>>
    %dma_wait3A_168 = tpu.memref_squeeze %dma_wait3A_167 : memref<1x128xf32, #tpu.memory_space<vmem>> -> memref<128xf32, #tpu.memory_space<vmem>>
    %dma_wait3A_169 = tpu.memref_slice %arg11[%add3A_56] : memref<8192xi32, #tpu.memory_space<vmem>> -> memref<128xi32, #tpu.memory_space<vmem>>
    %dma_wait3A_170 = arith.constant 0 : i32
    %dma_wait3A_171 = tpu.memref_slice %arg7[%dma_wait3A_170] : memref<100000xf32, #tpu.memory_space<hbm>> -> memref<100000xf32, #tpu.memory_space<hbm>>
    tpu.wait_indirect_dma semaphore(%arg25 : memref<!tpu.dma_semaphore, #tpu.memory_space<semaphore_mem>>) src(%dma_wait3A_171 : memref<100000xf32, #tpu.memory_space<hbm>>) dst(%dma_wait3A_168 : memref<128xf32, #tpu.memory_space<vmem>>)
    %dma_wait3A_172 = arith.constant 3 : i32
    %dma_wait3A_173 = arith.constant 0 : i32
    %dma_wait3A_174 = tpu.memref_slice %arg16[%dma_wait3A_172, %dma_wait3A_173] : memref<4x128xf32, #tpu.memory_space<vmem>> -> memref<1x128xf32, #tpu.memory_space<vmem>>
    %dma_wait3A_175 = tpu.memref_squeeze %dma_wait3A_174 : memref<1x128xf32, #tpu.memory_space<vmem>> -> memref<128xf32, #tpu.memory_space<vmem>>
    %dma_wait3A_176 = tpu.memref_slice %arg10[%add3A_65] : memref<8192xi32, #tpu.memory_space<vmem>> -> memref<128xi32, #tpu.memory_space<vmem>>
    %dma_wait3A_177 = arith.constant 0 : i32
    %dma_wait3A_178 = tpu.memref_slice %arg6[%dma_wait3A_177] : memref<100000xf32, #tpu.memory_space<hbm>> -> memref<100000xf32, #tpu.memory_space<hbm>>
    tpu.wait_indirect_dma semaphore(%arg25 : memref<!tpu.dma_semaphore, #tpu.memory_space<semaphore_mem>>) src(%dma_wait3A_178 : memref<100000xf32, #tpu.memory_space<hbm>>) dst(%dma_wait3A_175 : memref<128xf32, #tpu.memory_space<vmem>>)
    %dma_wait3A_179 = arith.constant 3 : i32
    %dma_wait3A_180 = arith.constant 0 : i32
    %dma_wait3A_181 = tpu.memref_slice %arg17[%dma_wait3A_179, %dma_wait3A_180] : memref<4x128xf32, #tpu.memory_space<vmem>> -> memref<1x128xf32, #tpu.memory_space<vmem>>
    %dma_wait3A_182 = tpu.memref_squeeze %dma_wait3A_181 : memref<1x128xf32, #tpu.memory_space<vmem>> -> memref<128xf32, #tpu.memory_space<vmem>>
    %dma_wait3A_183 = tpu.memref_slice %arg11[%add3A_74] : memref<8192xi32, #tpu.memory_space<vmem>> -> memref<128xi32, #tpu.memory_space<vmem>>
    %dma_wait3A_184 = arith.constant 0 : i32
    %dma_wait3A_185 = tpu.memref_slice %arg7[%dma_wait3A_184] : memref<100000xf32, #tpu.memory_space<hbm>> -> memref<100000xf32, #tpu.memory_space<hbm>>
    tpu.wait_indirect_dma semaphore(%arg25 : memref<!tpu.dma_semaphore, #tpu.memory_space<semaphore_mem>>) src(%dma_wait3A_185 : memref<100000xf32, #tpu.memory_space<hbm>>) dst(%dma_wait3A_182 : memref<128xf32, #tpu.memory_space<vmem>>)
    %get3A = arith.constant 0 : index
    %get3A_186 = tpu.vector_load %arg20[%get3A] {strides = array<i32>} : memref<16xf32, #tpu.memory_space<vmem>>, vector<16xf32>,
    %scan3A_187 = arith.constant 0 : i32
    %scan3A_188 = arith.constant 0 : i32
    %scan3A_189 = arith.constant 32 : i32
    %scan3A_190 = arith.addi %scan3A_188, %scan3A_189 : i32
    %scan3A_191 = arith.constant 1 : i32
    scf.for %scan3A_194 = %scan3A_188 to %scan3A_190 step %scan3A_191  : i32 {
      %shift_right_logical3A = arith.constant 3 : i32
      %shift_right_logical3A_195 = arith.shrui %scan3A_194, %shift_right_logical3A : i32
      %and3A = arith.constant 7 : i32
      %and3A_196 = arith.andi %scan3A_194, %and3A : i32
      %shift_left3A = arith.constant 4 : i32
      %shift_left3A_197 = arith.shli %and3A_196, %shift_left3A : i32
      %mul3A_198 = arith.constant 16 : i32
      %mul3A_199 = arith.muli %scan3A_194, %mul3A_198 : i32
      %get3A_200 = arith.constant 0 : i32
      %get3A_201 = arith.index_cast %get3A_200 : i32 to index
      %get3A_202 = arith.index_cast %mul3A_199 : i32 to index
      %get3A_203 = tpu.vector_load %arg19[%get3A_201, %get3A_202] {strides = array<i32>} : memref<16x512xf32, #tpu.memory_space<vmem>>, vector<16xf32>,
      %get3A_204 = arith.constant 1 : i32
      %get3A_205 = arith.index_cast %get3A_204 : i32 to index
      %get3A_206 = arith.index_cast %mul3A_199 : i32 to index
      %get3A_207 = tpu.vector_load %arg19[%get3A_205, %get3A_206] {strides = array<i32>} : memref<16x512xf32, #tpu.memory_space<vmem>>, vector<16xf32>,
      %add3A_208 = arith.addf %get3A_203, %get3A_207 : vector<16xf32>
      %get3A_209 = arith.constant 2 : i32
      %get3A_210 = arith.index_cast %get3A_209 : i32 to index
      %get3A_211 = arith.index_cast %mul3A_199 : i32 to index
      %get3A_212 = tpu.vector_load %arg19[%get3A_210, %get3A_211] {strides = array<i32>} : memref<16x512xf32, #tpu.memory_space<vmem>>, vector<16xf32>,
      %add3A_213 = arith.addf %add3A_208, %get3A_212 : vector<16xf32>
      %get3A_214 = arith.constant 3 : i32
      %get3A_215 = arith.index_cast %get3A_214 : i32 to index
      %get3A_216 = arith.index_cast %mul3A_199 : i32 to index
      %get3A_217 = tpu.vector_load %arg19[%get3A_215, %get3A_216] {strides = array<i32>} : memref<16x512xf32, #tpu.memory_space<vmem>>, vector<16xf32>,
      %add3A_218 = arith.addf %add3A_213, %get3A_217 : vector<16xf32>
      %get3A_219 = arith.constant 4 : i32
      %get3A_220 = arith.index_cast %get3A_219 : i32 to index
      %get3A_221 = arith.index_cast %mul3A_199 : i32 to index
      %get3A_222 = tpu.vector_load %arg19[%get3A_220, %get3A_221] {strides = array<i32>} : memref<16x512xf32, #tpu.memory_space<vmem>>, vector<16xf32>,
      %add3A_223 = arith.addf %add3A_218, %get3A_222 : vector<16xf32>
      %get3A_224 = arith.constant 5 : i32
      %get3A_225 = arith.index_cast %get3A_224 : i32 to index
      %get3A_226 = arith.index_cast %mul3A_199 : i32 to index
      %get3A_227 = tpu.vector_load %arg19[%get3A_225, %get3A_226] {strides = array<i32>} : memref<16x512xf32, #tpu.memory_space<vmem>>, vector<16xf32>,
      %add3A_228 = arith.addf %add3A_223, %get3A_227 : vector<16xf32>
      %get3A_229 = arith.constant 6 : i32
      %get3A_230 = arith.index_cast %get3A_229 : i32 to index
      %get3A_231 = arith.index_cast %mul3A_199 : i32 to index
      %get3A_232 = tpu.vector_load %arg19[%get3A_230, %get3A_231] {strides = array<i32>} : memref<16x512xf32, #tpu.memory_space<vmem>>, vector<16xf32>,
      %add3A_233 = arith.addf %add3A_228, %get3A_232 : vector<16xf32>
      %get3A_234 = arith.constant 7 : i32
      %get3A_235 = arith.index_cast %get3A_234 : i32 to index
      %get3A_236 = arith.index_cast %mul3A_199 : i32 to index
      %get3A_237 = tpu.vector_load %arg19[%get3A_235, %get3A_236] {strides = array<i32>} : memref<16x512xf32, #tpu.memory_space<vmem>>, vector<16xf32>,
      %add3A_238 = arith.addf %add3A_233, %get3A_237 : vector<16xf32>
      %get3A_239 = arith.constant 8 : i32
      %get3A_240 = arith.index_cast %get3A_239 : i32 to index
      %get3A_241 = arith.index_cast %mul3A_199 : i32 to index
      %get3A_242 = tpu.vector_load %arg19[%get3A_240, %get3A_241] {strides = array<i32>} : memref<16x512xf32, #tpu.memory_space<vmem>>, vector<16xf32>,
      %add3A_243 = arith.addf %add3A_238, %get3A_242 : vector<16xf32>
      %get3A_244 = arith.constant 9 : i32
      %get3A_245 = arith.index_cast %get3A_244 : i32 to index
      %get3A_246 = arith.index_cast %mul3A_199 : i32 to index
      %get3A_247 = tpu.vector_load %arg19[%get3A_245, %get3A_246] {strides = array<i32>} : memref<16x512xf32, #tpu.memory_space<vmem>>, vector<16xf32>,
      %add3A_248 = arith.addf %add3A_243, %get3A_247 : vector<16xf32>
      %get3A_249 = arith.constant 10 : i32
      %get3A_250 = arith.index_cast %get3A_249 : i32 to index
      %get3A_251 = arith.index_cast %mul3A_199 : i32 to index
      %get3A_252 = tpu.vector_load %arg19[%get3A_250, %get3A_251] {strides = array<i32>} : memref<16x512xf32, #tpu.memory_space<vmem>>, vector<16xf32>,
      %add3A_253 = arith.addf %add3A_248, %get3A_252 : vector<16xf32>
      %get3A_254 = arith.constant 11 : i32
      %get3A_255 = arith.index_cast %get3A_254 : i32 to index
      %get3A_256 = arith.index_cast %mul3A_199 : i32 to index
      %get3A_257 = tpu.vector_load %arg19[%get3A_255, %get3A_256] {strides = array<i32>} : memref<16x512xf32, #tpu.memory_space<vmem>>, vector<16xf32>,
      %add3A_258 = arith.addf %add3A_253, %get3A_257 : vector<16xf32>
      %get3A_259 = arith.constant 12 : i32
      %get3A_260 = arith.index_cast %get3A_259 : i32 to index
      %get3A_261 = arith.index_cast %mul3A_199 : i32 to index
      %get3A_262 = tpu.vector_load %arg19[%get3A_260, %get3A_261] {strides = array<i32>} : memref<16x512xf32, #tpu.memory_space<vmem>>, vector<16xf32>,
      %add3A_263 = arith.addf %add3A_258, %get3A_262 : vector<16xf32>
      %get3A_264 = arith.constant 13 : i32
      %get3A_265 = arith.index_cast %get3A_264 : i32 to index
      %get3A_266 = arith.index_cast %mul3A_199 : i32 to index
      %get3A_267 = tpu.vector_load %arg19[%get3A_265, %get3A_266] {strides = array<i32>} : memref<16x512xf32, #tpu.memory_space<vmem>>, vector<16xf32>,
      %add3A_268 = arith.addf %add3A_263, %get3A_267 : vector<16xf32>
      %get3A_269 = arith.constant 14 : i32
      %get3A_270 = arith.index_cast %get3A_269 : i32 to index
      %get3A_271 = arith.index_cast %mul3A_199 : i32 to index
      %get3A_272 = tpu.vector_load %arg19[%get3A_270, %get3A_271] {strides = array<i32>} : memref<16x512xf32, #tpu.memory_space<vmem>>, vector<16xf32>,
      %add3A_273 = arith.addf %add3A_268, %get3A_272 : vector<16xf32>
      %get3A_274 = arith.constant 15 : i32
      %get3A_275 = arith.index_cast %get3A_274 : i32 to index
      %get3A_276 = arith.index_cast %mul3A_199 : i32 to index
      %get3A_277 = tpu.vector_load %arg19[%get3A_275, %get3A_276] {strides = array<i32>} : memref<16x512xf32, #tpu.memory_space<vmem>>, vector<16xf32>,
      %add3A_278 = arith.addf %add3A_273, %get3A_277 : vector<16xf32>
      %get3A_279 = arith.index_cast %shift_right_logical3A_195 : i32 to index
      %get3A_280 = arith.index_cast %shift_left3A_197 : i32 to index
      %get3A_281 = tpu.vector_load %arg16[%get3A_279, %get3A_280] {strides = array<i32>} : memref<4x128xf32, #tpu.memory_space<vmem>>, vector<16xf32>,
      %add3A_282 = arith.addf %add3A_278, %get3A_281 : vector<16xf32>
      %get3A_283 = arith.index_cast %shift_right_logical3A_195 : i32 to index
      %get3A_284 = arith.index_cast %shift_left3A_197 : i32 to index
      %get3A_285 = tpu.vector_load %arg17[%get3A_283, %get3A_284] {strides = array<i32>} : memref<4x128xf32, #tpu.memory_space<vmem>>, vector<16xf32>,
      %add3A_286 = arith.addf %add3A_282, %get3A_285 : vector<16xf32>
      %add3A_287 = arith.addf %add3A_286, %get3A_186 : vector<16xf32>
      %swap3A = arith.index_cast %mul3A_199 : i32 to index
      %swap3A_288 = tpu.vector_load %arg21[%swap3A] {strides = array<i32>} : memref<512xf32, #tpu.memory_space<vmem>>, vector<16xf32>,
      tpu.vector_store %arg21[%swap3A], %add3A_287 {strides = array<i32>} : memref<512xf32, #tpu.memory_space<vmem>>, vector<16xf32>,
    }
    %scan3A_192 = arith.constant 32 : i32
    %add3A_193 = arith.addi %mul3A_0, %mul3A_5 : i32
    "tpu.region"() ({
      %run_scoped3A_194 = tpu.sem_alloc : memref<!tpu.dma_semaphore, #tpu.memory_space<semaphore_mem>>
      %dma_start3A_195 = tpu.memref_slice %arg9[%add3A_193] : memref<16384xf32, #tpu.memory_space<hbm>> -> memref<512xf32, #tpu.memory_space<hbm>>
      %dma_start3A_196 = tpu.memref_slice %arg9[%add3A_193] : memref<16384xf32, #tpu.memory_space<hbm>> -> memref<512xf32, #tpu.memory_space<hbm>>
      tpu.enqueue_dma source(%arg21 : memref<512xf32, #tpu.memory_space<vmem>>) target(%dma_start3A_196 : memref<512xf32, #tpu.memory_space<hbm>>) target_semaphore(%run_scoped3A_194 : memref<!tpu.dma_semaphore, #tpu.memory_space<semaphore_mem>>)
      %dma_wait3A_197 = tpu.memref_slice %arg9[%add3A_193] : memref<16384xf32, #tpu.memory_space<hbm>> -> memref<512xf32, #tpu.memory_space<hbm>>
      %dma_wait3A_198 = tpu.memref_slice %arg9[%add3A_193] : memref<16384xf32, #tpu.memory_space<hbm>> -> memref<512xf32, #tpu.memory_space<hbm>>
      tpu.wait_dma2 semaphore(%run_scoped3A_194 : memref<!tpu.dma_semaphore, #tpu.memory_space<semaphore_mem>>) src(%arg21 : memref<512xf32, #tpu.memory_space<vmem>>) dst(%dma_wait3A_198 : memref<512xf32, #tpu.memory_space<hbm>>)
      tpu.yield
    }) : () -> ()
    return
  }
}

</mosaic_0001>

<sc_bundles>
// kernel: _run.3.cloned.1.call-start
scs
__scs_entry_jumppad:
0x0: {  	(pc) =	sbr.rel $0x88, $3  }
0x1: {  	(tag) =	ssettag $0x0;
	lr =	simm.s32 $0x1  }
0x2: {  	[smem:$0x3F9A] =	sst lr;
	_ =	strace $0xD0000000  }
0x3: {  	_ = 	snop  }
0x4: {  	_ = 	snop  }
0x5: {  	_ = 	snop  }
0x6: {  	_ = 	snop  }
0x7: {  	_ = 	snop  }
__scs_overlays_trampoline_lowered:
0x8: {  	[smem:$0x3FA9] =	sst s0  }
0x9: {  	[smem:$0x3FAA] =	sst s1  }
0xa: {  	[smem:$0x3FAB] =	sst s2  }
0xb: {  	[smem:$0x3FAC] =	sst s3  }
0xc: {  	[smem:$0x3FAD] =	sst s4  }
0xd: {  	[smem:$0x3FAE] =	sst s5  }
0xe: {  	[smem:$0x3FAF] =	sst s6  }
0xf: {  	[smem:$0x3FB0] =	sst s7  }
0x10: {  	[smem:$0x3FB1] =	sst s8  }
0x11: {  	[smem:$0x3FB2] =	sst s9;
	s0 =	simm.s32 @!p0 $0x0  }
0x12: {  	s1 =	sld [smem:$0x3F98];
	s0 =	simm.s32 @p0 $0x1  }
0x13: {  	[smem:$0x3FB3] =	sst s0;
	s0 =	simm.s32 @!p1 $0x0  }
0x14: {  	s2 =	sld [smem:$0x3F97];
	s0 =	simm.s32 @p1 $0x1  }
0x15: {  	[smem:$0x3FB4] =	sst s0;
	s0 =	simm.s32 @!p2 $0x0  }
0x16: {  	s3 =	sld [smem:$0x3FDB];
	s0 =	simm.s32 @p2 $0x1  }
0x17: {  	s4 =	simm.s32 $0x1BF5;
	[smem:$0x3FB6] =	sst s0  }
0x18: {  	s0 =	sld [smem:$0x3F99];
	_ =	swait.ge [sflag:s4], $0x0  }
0x19: {  	s7 =	sld [smem:$0x3F9A]  }
0x1a: {  	s8 =	sadd.s32 $0xFFFFE003, lr  }
0x1b: {  	s9 =	sadd.s32 $0xFFFFFEF7, lr;
	s5 =	simm.s32 $0xFFFFFFFF;
	p2 =	slt.u32 s8, $0xFFFFF086  }
0x1c: {  	p1 =	slt.u32 s9, $0xF7A;
	s5 =	simm.s32 @!p2 $0x0  }
0x1d: {  	s5 =	simm.s32 @p1 $0x1;
	p0 =	seq.s32 s7, s2  }
0x1e: {  	s7 =	smul.u32 @!p0 $0xF7A, s2;
	p2 =	seq.s32 @!p0 s5, $0x0  }
0x1f: {  	s9 =	smul.u32 $0xF7A, s1;
	s8 =	simm.s32 @!p0 $0x1BF5;
	p2 =	por !p2, p0  }
0x20: {  	[sflag:s8] =	ssyncset.s32 @!p0 $0xFFFFF086;
	s6 =	sadd.s32 @!p0 s3, s7;
	s7 =	simm.s32 @!p0 $0x108  }
0x21: {  	s3 =	sadd.s32 s3, s9;
	s6 =	sadd.s32 @!p0 $0x88, s6;
	s7 =	simm.s32 @p2 $0x1082  }
0x22: {  	[simem:s7], [sflag:s8] =	dma.local @!p0 [hbm:s6], $0xF7A  }
0x23: {  	s9 =	sor.u32 $0xD0000000, s2;
	s6 =	simm.s32 $0x108;
	_ =	swait.ge @!p0 [sflag:s8], $0x0  }
0x24: {  	s3 =	sadd.s32 $0x88, s3;
	s6 =	simm.s32 @!p1 $0x1082;
	[sflag:s4] =	ssyncset.s32 $0xFFFFF086  }
0x25: {  	[simem:s6], [sflag:s4] =	dma.local [hbm:s3], $0xF7A  }
0x26: {  	[smem:$0x3F9A] =	sst s1;
	(tag) =	ssettag s2;
	_ =	strace s9  }
0x27: {  	s1 =	sld [smem:$0x3FAA]  }
0x28: {  	s2 =	sld [smem:$0x3FAB]  }
0x29: {  	s4 =	sld [smem:$0x3FAD]  }
0x2a: {  	p0 =	seq.s32 s5, $0x0;
	s5 =	sld [smem:$0x3FAE]  }
0x2b: {  	s6 =	sld [smem:$0x3FAF]  }
0x2c: {  	s7 =	sld [smem:$0x3FB0]  }
0x2d: {  	s3 =	simm.s32 $0x108;
	s8 =	sld [smem:$0x3FB1]  }
0x2e: {  	s3 =	simm.s32 @!p0 $0x1082;
	s9 =	sld [smem:$0x3FB2]  }
0x2f: {  	lr =	sadd.s32 s0, s3;
	s0 =	sld [smem:$0x3FA9]  }
0x30: {  	s3 =	sld [smem:$0x3FAC]  }
0x31: {  	[smem:$0x3FB5] =	sst s10  }
0x32: {  	s10 =	sld [smem:$0x3FB3];
	_ =	sdelay $0x3  }
0x33: {  	p0 =	seq.s32 s10, $0x1;
	s10 =	sld [smem:$0x3FB5];
	_ =	sdelay $0x3  }
0x34: {  	[smem:$0x3FB5] =	sst s10  }
0x35: {  	s10 =	sld [smem:$0x3FB4];
	_ =	sdelay $0x3  }
0x36: {  	p1 =	seq.s32 s10, $0x1;
	s10 =	sld [smem:$0x3FB5];
	_ =	sdelay $0x3  }
0x37: {  	[smem:$0x3FB5] =	sst s10  }
0x38: {  	s10 =	sld [smem:$0x3FB6]  }
0x39: {  	_ = 	snop;
	(pc) =	sbr.ind lr, $3  }
0x3a: {  	_ = 	snop  }
0x3b: {  	_ = 	snop  }
0x3c: {  	p2 =	seq.s32 s10, $0x1;
	s10 =	sld [smem:$0x3FB5]  }
0x3d: {  	_ =	shalt  }
0x3e: {  	_ =	shalt  }
0x3f: {  	_ =	shalt  }
0x40: {  	_ =	shalt  }
0x41: {  	_ =	shalt  }
0x42: {  	_ =	shalt  }
0x43: {  	_ =	shalt  }
0x44: {  	_ =	shalt  }
0x45: {  	_ =	shalt  }
0x46: {  	_ =	shalt  }
0x47: {  	_ =	shalt  }
0x48: {  	_ =	shalt  }
0x49: {  	_ =	shalt  }
0x4a: {  	_ =	shalt  }
0x4b: {  	_ =	shalt  }
0x4c: {  	_ =	shalt  }
0x4d: {  	_ =	shalt  }
0x4e: {  	_ =	shalt  }
0x4f: {  	_ =	shalt  }
0x50: {  	_ =	shalt  }
0x51: {  	_ =	shalt  }
0x52: {  	_ =	shalt  }
0x53: {  	_ =	shalt  }
0x54: {  	_ =	shalt  }
0x55: {  	_ =	shalt  }
0x56: {  	_ =	shalt  }
0x57: {  	_ =	shalt  }
0x58: {  	_ =	shalt  }
0x59: {  	_ =	shalt  }
0x5a: {  	_ =	shalt  }
0x5b: {  	_ =	shalt  }
0x5c: {  	_ =	shalt  }
0x5d: {  	_ =	shalt  }
0x5e: {  	_ =	shalt  }
0x5f: {  	_ =	shalt  }
0x60: {  	_ =	shalt  }
0x61: {  	_ =	shalt  }
0x62: {  	_ =	shalt  }
0x63: {  	_ =	shalt  }
0x64: {  	_ =	shalt  }
0x65: {  	_ =	shalt  }
0x66: {  	_ =	shalt  }
0x67: {  	_ =	shalt  }
0x68: {  	_ =	shalt  }
0x69: {  	_ =	shalt  }
0x6a: {  	_ =	shalt  }
0x6b: {  	_ =	shalt  }
0x6c: {  	_ =	shalt  }
0x6d: {  	_ =	shalt  }
0x6e: {  	_ =	shalt  }
0x6f: {  	_ =	shalt  }
0x70: {  	_ =	shalt  }
0x71: {  	_ =	shalt  }
0x72: {  	_ =	shalt  }
0x73: {  	_ =	shalt  }
0x74: {  	_ =	shalt  }
0x75: {  	_ =	shalt  }
0x76: {  	_ =	shalt  }
0x77: {  	_ =	shalt  }
0x78: {  	_ =	shalt  }
0x79: {  	_ =	shalt  }
0x7a: {  	_ =	shalt  }
0x7b: {  	_ =	shalt  }
0x7c: {  	_ =	shalt  }
0x7d: {  	_ =	shalt  }
0x7e: {  	_ =	shalt  }
0x7f: {  	_ =	shalt  }
0x80: {  	_ =	shalt  }
0x81: {  	_ =	shalt  }
0x82: {  	_ =	shalt  }
0x83: {  	_ =	shalt  }
0x84: {  	_ =	shalt  }
0x85: {  	_ =	shalt  }
0x86: {  	_ =	shalt  }
0x87: {  	_ =	shalt  }
.Lfunc_end0:
.L_simem_size_0:
called_computation_lowered:
.L_overlay_start_0:
0x88: {  	s2 =	sld [smem:$0x3FD9]  }
0x89: {  	s3 =	sld [smem:$0x3FFE];
	_ =	sdelay $0x1  }
0x8a: {  	s1 =	srdreg.scid  }
0x8b: {  	s0 =	sand.u32 $0x1, s1  }
0x8c: {  	s17 =	sshll.u32 s0, $0xA;
	s2 =	sadd.s32 s3, s2  }
0x8d: {  	s2 =	sadd.s32 s2, s17  }
0x8e: {  	[smem:$0x3FC1] =	sst s2  }
0x8f: {  	_ = 	snop  }
0x90: {  	s2 =	sld [smem:$0x3FC9]  }
0x91: {  	s18 =	sld [smem:$0x3FC8]  }
0x92: {  	s4 =	sld [smem:$0x3FC5]  }
0x93: {  	s5 =	sld [smem:$0x3FC4]  }
0x94: {  	s6 =	sld [smem:$0x3FC3]  }
0x95: {  	s7 =	sld [smem:$0x3FD0];
	(tm) =	ssettm $0x1  }
0x96: {  	s8 =	sld [smem:$0x3FFB];
	_ =	sdelay $0x3  }
0x97: {  	_ =	strace s8  }
0x98: {  	s8 =	sld [smem:$0x3FFC];
	_ =	sdelay $0x3  }
0x99: {  	_ =	strace s8  }
0x9a: {  	s8 =	sld [smem:$0x3FFD];
	_ =	sdelay $0x3  }
0x9b: {  	_ =	strace s8  }
0x9c: {  	_ =	strace $0x8FFFFFFF  }
0x9d: {  	s19 =	sld [smem:$0x3FDB];
	_ =	sdelay $0x1  }
0x9e: {  	s9 =	simm.s32 $_scs_section_size  }
0x9f: {  	s10 =	simm.s32 $_size__tile_overlayer_lowered;
	s11 =	simm.s32 $_tile_overlayer_lowered  }
0xa0: {  	s22 =	simm.s32 $0x1BFF;
	s21 =	sshll.u32 s11, $0x1;
	s8 =	sadd.s32 s9, s19  }
0xa1: {  	s12 =	simm.s32 $0x0;
	s20 =	sshll.u32 s10, $0x1;
	s10 =	sadd.s32 s21, s8  }
0xa2: {  	[timem:s12], [sflag:s22] =	dma.local [hbm:s10], s20  }
0xa3: {  	_ =	swait.ge [sflag:s22], s20  }
0xa4: {  	s9 =	ssub.s32 $0x0, s20;
	[sflag:s22] =	ssyncset.done $0x0  }
0xa5: {  	[sflag:s22] =	ssyncadd.s32 s9;
	_ =	sdelay $0x1  }
0xa6: {  	s23 =	simm.s32 $0x1B8B  }
0xa7: {  	_ =	swait.ge [sflag:s23], $0x1  }
0xa8: {  	[sflag:s23] =	ssyncset.done $0x0  }
0xa9: {  	s25 =	simm.s32 $0x1B8E;
	s24 =	sld [smem:$0x3FFE];
	[sflag:s23] =	ssyncadd.s32 $0xFFFFFFFF  }
0xaa: {  	s26 =	simm.s32 $execute0_lowered;
	[smem:$0x3FD2] =	sst s25  }
0xab: {  	s10 =	sshll.u32 s26, $0x1;
	_ =	strace $0x80000046;
	[dreg:$0x1] =	wrdreg $0xFFFFFFFF  }
0xac: {  	s28 =	simm.s32 $_size_execute0_lowered;
	s8 =	sadd.s32 s8, s10;
	[dreg:$0x0] =	wrdreg $0x0  }
0xad: {  	s10 =	sshll.u32 s28, $0x1;
	[dreg:$0x2] =	wrdreg s8  }
0xae: {  	[dreg:$0x3] =	wrdreg s10  }
0xaf: {  	[dreg:$0x4] =	wrdreg $0xC0  }
0xb0: {  	_ =	task [dreg:s12], $0x5FFFF  }
0xb1: {  	[dreg:$0x1] =	wrdreg $0xFFFFFFFF  }
0xb2: {  	[dreg:$0x0] =	wrdreg $0x60  }
0xb3: {  	[dreg:$0x2] =	wrdreg s2  }
0xb4: {  	[dreg:$0x3] =	wrdreg s18  }
0xb5: {  	[dreg:$0x4] =	wrdreg s24  }
0xb6: {  	[dreg:$0x5] =	wrdreg s4  }
0xb7: {  	[dreg:$0x6] =	wrdreg s5  }
0xb8: {  	[dreg:$0x7] =	wrdreg s6  }
0xb9: {  	[dreg:$0x8] =	wrdreg s7  }
0xba: {  	[dreg:$0x9] =	wrdreg $0x106100  }
0xbb: {  	[dreg:$0xa] =	wrdreg $0x9  }
0xbc: {  	_ =	task.clear_ibuf [dreg:s12], $0xBFFFF;
	_ =	strace $0x90000046  }
0xbd: {  	s29 =	simm.s32 $0x9;
	_ =	strace $0x80000048  }
0xbe: {  	_ =	swait.ge [sflag:s29], $0x1  }
0xbf: {  	[sflag:s29] =	ssyncadd.s32 $0xFFFFFFFF  }
0xc0: {  	_ =	strace $0x90000048  }
0xc1: {  	_ =	sfence  }
0xc2: {  	s30 =	sld [smem:$0x0];
	_ =	sdelay $0x2  }
0xc3: {  	s31 =	sshll.u32 s1, $0xD;
	s1 =	sshrl.u32 s1, $0x2  }
0xc4: {  	s3 =	sand.u32 $0x4000, s31;
	s1 =	sadd.s32 s1, s30  }
0xc5: {  	s0 =	sor.u32 s3, s0;
	s1 =	sshll.u32 s1, $0x11  }
0xc6: {  	s0 =	sor.u32 s1, s0  }
0xc7: {  	s0 =	sadd.s32 $0x8F2B, s0  }
0xc8: {  	[sflag:s0] =	ssyncadd.remote.s32 $0x1  }
0xc9: {  	_ =	sfence.sel $0xFFFF  }
0xca: {  	[dreg:$0x0] =	wrdreg $0xFFFFFFFF;
	(pc) =	sbr.abs _section_cstart, $3  }
0xcb: {  	[dreg:$0x1] =	wrdreg $0xFFFFFFFF  }
0xcc: {  	_ =	task.clear_ibuf [dreg:s12], $0x2FFFF;
	_ =	strace $0x9FFFFFFF  }
0xcd: {  	(tm) =	ssettm $0x7FFFFFFF  }
tec
execute0_lowered:
.L_overlay_start_1:
0x0: {  	(tag) =	ssettag $0x1  }
0x1: {  	s0 =	rddreg [dreg:$0x0]  }
0x2: {  	s3 =	rddreg [dreg:$0x1]  }
0x3: {  	s5 =	rddreg [dreg:$0x2]  }
0x4: {  	s1 =	rddreg [dreg:$0x3]  }
0x5: {  	s2 =	rddreg [dreg:$0x4]  }
0x6: {  	s7 =	rddreg [dreg:$0x6]  }
0x7: {  	s8 =	rddreg [dreg:$0x7]  }
0x8: {  	s4 =	simm.s32 $0x0;
	s6 =	srdreg.scid;
	s15 =	stileid.u32  }
0x9: {  	[smem:$0x7FF] =	sst s4;
	s6 =	sand.u32 $0x1, s6;
	s10 =	sadd.s32 $0x1400, s5  }
0xa: {  	s5 =	sadd.s32 $0x63000, s5;
	s25 =	smul.u32 $0x61A8, s15;
	s19 =	sshll.u32 s15, $0xD  }
0xb: {  	_ =	strace $0x80000047;
	s9 =	ssub.s32 $0x2, s6;
	s24 =	sshll.u32 s6, $0xA  }
0xc: {  	s14 =	sshll.u32 s6, $0xD;
	s6 =	sshll.u32 s15, $0x9;
	s11 =	sshrl.u32 s9, $0x1  }
0xd: {  	s0 =	sadd.s32 s0, s24;
	s26 =	sadd.s32 s3, s24;
	s28 =	sadd.s32 $0x30D4, s25  }
0xe: {  	s29 =	sor.u32 $0x2000, s6;
	s30 =	sor.u32 $0x80, s6;
	[dreg:$0x9] =	wrdreg s0  }
0xf: {  	s3 =	sor.u32 $0x2080, s6;
	s16 =	sor.u32 $0x2100, s6;
	[dreg:$0xa] =	wrdreg s26  }
0x10: {  	s17 =	sor.u32 $0x180, s6;
	s18 =	sor.u32 $0x2180, s6;
	[dreg:$0xb] =	wrdreg s29  }
0x11: {  	s20 =	sor.u32 s6, s14;
	s21 =	sadd.s32 s6, s8;
	[dreg:$0xc] =	wrdreg s30  }
0x12: {  	s13 =	ssub.s32 s9, s11;
	s9 =	sadd.s32 s10, s25;
	[dreg:$0xd] =	wrdreg s3  }
0x13: {  	s10 =	sadd.s32 s10, s28;
	s11 =	sadd.s32 s5, s25;
	[dreg:$0xf] =	wrdreg s16  }
0x14: {  	s12 =	sadd.s32 s5, s28;
	s5 =	sor.u32 $0x100, s6;
	[dreg:$0x10] =	wrdreg s17  }
0x15: {  	[dreg:$0x11] =	wrdreg s18;
	s0 =	sadd.s32 s19, s8;
	s22 =	sshrl.u32 s20, $0x3  }
0x16: {  	s23 =	sadd.s32 $0x2000, s21;
	s24 =	sadd.s32 $0x4000, s21;
	s26 =	sadd.s32 $0x6000, s21  }
0x17: {  	s28 =	sadd.s32 $0x8000, s21;
	s29 =	sadd.s32 $0xA000, s21;
	[dreg:$0xe] =	wrdreg s5  }
0x18: {  	s30 =	sadd.s32 $0xC000, s21;
	s31 =	sadd.s32 $0xE000, s21;
	[dreg:$0x12] =	wrdreg s0  }
0x19: {  	s3 =	sadd.s32 $0x14000, s21;
	s8 =	sadd.s32 $0x18000, s21;
	[dreg:$0x13] =	wrdreg s23  }
0x1a: {  	s14 =	sadd.s32 $0x1C000, s21;
	s15 =	sadd.s32 $0x1E000, s21;
	[dreg:$0x15] =	wrdreg s24  }
0x1b: {  	s16 =	simm.s32 $0x4;
	s17 =	simm.s32 $0x80;
	[dreg:$0x17] =	wrdreg s26  }
0x1c: {  	s18 =	simm.s32 $0x1;
	s19 =	simm.s32 $0x2;
	[dreg:$0x18] =	wrdreg s28  }
0x1d: {  	s20 =	simm.s32 $0x3;
	s0 =	sadd.s32 s7, s22;
	[dreg:$0x19] =	wrdreg s29  }
0x1e: {  	s25 =	smax.u32 s13, $0x1;
	[dreg:$0x1a] =	wrdreg s30;
	s5 =	sadd.s32 $0x12000, s21  }
0x1f: {  	s7 =	sadd.s32 $0x16000, s21;
	s13 =	sadd.s32 $0x1A000, s21;
	[dreg:$0x14] =	wrdreg s0  }
0x20: {  	s22 =	simm.s32 $0x0;
	[dreg:$0x16] =	wrdreg s25;
	s0 =	sadd.s32 $0x10000, s21  }
.LBB2_1:
0x21: {  	s23 =	rddreg [dreg:$0x9]  }
0x22: {  	[tilespmem:s4], [sflag:$0x4] =	stream.linear.gather [hbm4b:s23+s4], $0x2000, $0x38;
	[tilespmem:$0x12610] =	vst v63  }
0x23: {  	_ =	swait.ge [sflag:s16], $0x2000  }
0x24: {  	[sflag:s16] =	ssyncset.done $0x0  }
0x25: {  	s24 =	simm.s32 $0x2000;
	s30 =	rddreg [dreg:$0xa];
	[sflag:s16] =	ssyncadd.s32 $0xFFFFE000  }
0x26: {  	[tilespmem:s24], [sflag:$0x4] =	stream.linear.gather [hbm4b:s30+s4], $0x2000, $0x38;
	[tilespmem:$0x12610] =	vst v63  }
0x27: {  	_ =	swait.ge [sflag:s16], $0x2000  }
0x28: {  	[sflag:s16] =	ssyncset.done $0x0  }
0x29: {  	[sflag:s16] =	ssyncadd.s32 $0xFFFFE000  }
0x2a: {  	s25 =	simm.s32 $0x10400;
	s24 =	rddreg [dreg:$0x5]  }
0x2b: {  	[tilespmem:s25], [sflag:$0x4] =	stream.linear.gather [hbm4b:s24+s4], $0x10, $0x38;
	[tilespmem:$0x12610] =	vst v63  }
0x2c: {  	_ =	swait.ge [sflag:s16], $0x10  }
0x2d: {  	[sflag:s16] =	ssyncset.done $0x0  }
0x2e: {  	s26 =	simm.s32 $0x0;
	s28 =	simm.s32 $0x4000;
	[sflag:s16] =	ssyncadd.s32 $0xFFFFFFF0  }
0x2f: {  	[tilespmem:s28], [sflag:$0x1] =	stream.indirect.gather [hbm4b:s9+s17], $0x1, s26, s17, $0xb8;
	[tilespmem:$0x12610] =	vst v63  }
0x30: {  	s29 =	simm.s32 $0x6000;
	s23 =	simm.s32 $0x80;
	s30 =	simm.s32 $0x8000  }
0x31: {  	[tilespmem:s29], [sflag:$0x1] =	stream.indirect.gather [hbm4b:s10+s17], $0x1, s26, s17, $0xb8;
	[tilespmem:$0x12610] =	vst v63  }
0x32: {  	s24 =	simm.s32 $0x2000;
	s25 =	simm.s32 $0x400;
	s26 =	simm.s32 $0xA000  }
0x33: {  	[tilespmem:s30], [sflag:$0x1] =	stream.indirect.gather [hbm4b:s11+s17], $0x1, s24, s17, $0xb8;
	[tilespmem:$0x12610] =	vst v63  }
.LBB2_2:
0x34: {  	[tilespmem:s26], [sflag:$0x1] =	stream.indirect.gather [hbm4b:s12+s17], $0x1, s24, s17, $0xb8;
	[tilespmem:$0x12610] =	vst v63  }
0x35: {  	s24 =	smov.u32 s25;
	s29 =	sadd.s32 $0x200, s25  }
0x36: {  	p0 =	sne.s32 s25, $0x3E00;
	s28 =	sshra.s32 s24, $0x2;
	s24 =	sadd.s32 $0x4000, s23  }
0x37: {  	[tilespmem:s24], [sflag:$0x1] =	stream.indirect.gather [hbm4b:s9+s17], $0x1, s23, s17, $0xb8;
	[tilespmem:$0x12610] =	vst v63  }
.Ltmp0:
0x38: {  	s24 =	sadd.s32 $0x6000, s23;
	(pc) =	sbr.rel @p0 .LBB2_2-.Ltmp0, $4  }
0x39: {  	[tilespmem:s24], [sflag:$0x1] =	stream.indirect.gather [hbm4b:s10+s17], $0x1, s23, s17, $0xb8;
	[tilespmem:$0x12610] =	vst v63  }
0x3a: {  	s25 =	sadd.s32 $0x8000, s23;
	s24 =	sadd.s32 $0x2000, s23  }
0x3b: {  	[tilespmem:s25], [sflag:$0x1] =	stream.indirect.gather [hbm4b:s11+s17], $0x1, s24, s17, $0xb8;
	[tilespmem:$0x12610] =	vst v63  }
0x3c: {  	s26 =	sadd.s32 $0xA000, s23;
	s23 =	smov.u32 s28;
	s25 =	smov.u32 s29  }
0x3d: {  	[tilespmem:s26], [sflag:$0x1] =	stream.indirect.gather [hbm4b:s12+s17], $0x1, s24, s17, $0xb8;
	[tilespmem:$0x12610] =	vst v63  }
0x3e: {  	s26 =	sadd.s32 $0x4000, s23  }
0x3f: {  	[tilespmem:s26], [sflag:$0x1] =	stream.indirect.gather [hbm4b:s9+s17], $0x1, s23, s17, $0xb8;
	[tilespmem:$0x12610] =	vst v63  }
0x40: {  	s29 =	sadd.s32 $0x6000, s23  }
0x41: {  	[tilespmem:s29], [sflag:$0x1] =	stream.indirect.gather [hbm4b:s10+s17], $0x1, s23, s17, $0xb8;
	[tilespmem:$0x12610] =	vst v63  }
0x42: {  	s30 =	sadd.s32 $0x2000, s23;
	s25 =	sadd.s32 $0x8000, s23  }
0x43: {  	[tilespmem:s25], [sflag:$0x1] =	stream.indirect.gather [hbm4b:s11+s17], $0x1, s30, s17, $0xb8;
	[tilespmem:$0x12610] =	vst v63  }
0x44: {  	s25 =	sadd.s32 $0xA000, s23  }
0x45: {  	[tilespmem:s25], [sflag:$0x1] =	stream.indirect.gather [hbm4b:s12+s17], $0x1, s30, s17, $0xb8;
	[tilespmem:$0x12610] =	vst v63  }
0x46: {  	s26 =	simm.s32 $0xC000  }
0x47: {  	[tilespmem:s26], [sflag:$0x3] =	stream.indirect.gather [hbm4b:s1+s17], $0x1, s6, s17, $0xb8;
	[tilespmem:$0x12610] =	vst v63  }
0x48: {  	s29 =	rddreg [dreg:$0xb];
	s30 =	simm.s32 $0xC200  }
0x49: {  	[tilespmem:s30], [sflag:$0x3] =	stream.indirect.gather [hbm4b:s2+s17], $0x1, s29, s17, $0xb8;
	[tilespmem:$0x12610] =	vst v63  }
0x4a: {  	s25 =	rddreg [dreg:$0xc];
	s26 =	simm.s32 $0xC080  }
0x4b: {  	[tilespmem:s26], [sflag:$0x3] =	stream.indirect.gather [hbm4b:s1+s17], $0x1, s25, s17, $0xb8;
	[tilespmem:$0x12610] =	vst v63  }
0x4c: {  	s29 =	rddreg [dreg:$0xd];
	s30 =	simm.s32 $0xC280  }
0x4d: {  	[tilespmem:s30], [sflag:$0x3] =	stream.indirect.gather [hbm4b:s2+s17], $0x1, s29, s17, $0xb8;
	[tilespmem:$0x12610] =	vst v63  }
0x4e: {  	s25 =	rddreg [dreg:$0xe];
	s26 =	simm.s32 $0xC100  }
0x4f: {  	[tilespmem:s26], [sflag:$0x3] =	stream.indirect.gather [hbm4b:s1+s17], $0x1, s25, s17, $0xb8;
	[tilespmem:$0x12610] =	vst v63  }
0x50: {  	s29 =	rddreg [dreg:$0xf];
	s30 =	simm.s32 $0xC300  }
0x51: {  	[tilespmem:s30], [sflag:$0x3] =	stream.indirect.gather [hbm4b:s2+s17], $0x1, s29, s17, $0xb8;
	[tilespmem:$0x12610] =	vst v63  }
0x52: {  	s25 =	rddreg [dreg:$0x10];
	s26 =	simm.s32 $0xC180  }
0x53: {  	[tilespmem:s26], [sflag:$0x3] =	stream.indirect.gather [hbm4b:s1+s17], $0x1, s25, s17, $0xb8;
	[tilespmem:$0x12610] =	vst v63  }
0x54: {  	s29 =	rddreg [dreg:$0x11];
	s30 =	simm.s32 $0xC380  }
0x55: {  	[tilespmem:s30], [sflag:$0x3] =	stream.indirect.gather [hbm4b:s2+s17], $0x1, s29, s17, $0xb8;
	[tilespmem:$0x12610] =	vst v63  }
0x56: {  	s24 =	simm.s32 $0x80;
	s25 =	simm.s32 $0x1000;
	s26 =	simm.s32 $0x5000  }
0x57: {  	[tilespmem:s26], [sflag:$0x2] =	stream.indirect.gather [hbm4b:s9+s17], $0x1, s25, s17, $0xb8;
	[tilespmem:$0x12610] =	vst v63  }
0x58: {  	s28 =	simm.s32 $0xB000;
	s23 =	simm.s32 $0x200;
	s29 =	simm.s32 $0x7000  }
0x59: {  	[tilespmem:s29], [sflag:$0x2] =	stream.indirect.gather [hbm4b:s10+s17], $0x1, s25, s17, $0xb8;
	[tilespmem:$0x12610] =	vst v63  }
0x5a: {  	s30 =	simm.s32 $0x9000;
	s26 =	simm.s32 $0x3000;
	s25 =	simm.s32 $0x400  }
0x5b: {  	[tilespmem:s30], [sflag:$0x2] =	stream.indirect.gather [hbm4b:s11+s17], $0x1, s26, s17, $0xb8;
	[tilespmem:$0x12610] =	vst v63  }
.LBB2_4:
0x5c: {  	[tilespmem:s28], [sflag:$0x2] =	stream.indirect.gather [hbm4b:s12+s17], $0x1, s26, s17, $0xb8;
	[tilespmem:$0x12610] =	vst v63  }
0x5d: {  	s26 =	smov.u32 s25;
	s29 =	sshra.s32 s25, $0x2  }
0x5e: {  	s28 =	sadd.s32 $0x5000, s24;
	p0 =	sne.s32 s25, $0x3E00;
	s26 =	sadd.s32 $0x1000, s24  }
0x5f: {  	[tilespmem:s28], [sflag:$0x2] =	stream.indirect.gather [hbm4b:s9+s17], $0x1, s26, s17, $0xb8;
	[tilespmem:$0x12610] =	vst v63  }
.Ltmp1:
0x60: {  	s30 =	sadd.s32 $0x200, s25;
	s28 =	sadd.s32 $0x7000, s24;
	(pc) =	sbr.rel @p0 .LBB2_4-.Ltmp1, $4  }
0x61: {  	[tilespmem:s28], [sflag:$0x2] =	stream.indirect.gather [hbm4b:s10+s17], $0x1, s26, s17, $0xb8;
	[tilespmem:$0x12610] =	vst v63  }
0x62: {  	s25 =	sadd.s32 $0x9000, s24;
	s26 =	sadd.s32 $0x3000, s24  }
0x63: {  	[tilespmem:s25], [sflag:$0x2] =	stream.indirect.gather [hbm4b:s11+s17], $0x1, s26, s17, $0xb8;
	[tilespmem:$0x12610] =	vst v63  }
0x64: {  	s28 =	sadd.s32 $0xB000, s24;
	s24 =	smov.u32 s29;
	s25 =	smov.u32 s30  }
0x65: {  	[tilespmem:s28], [sflag:$0x2] =	stream.indirect.gather [hbm4b:s12+s17], $0x1, s26, s17, $0xb8;
	[tilespmem:$0x12610] =	vst v63  }
0x66: {  	s25 =	sadd.s32 $0x1000, s24;
	s29 =	sadd.s32 $0x5000, s24  }
0x67: {  	[tilespmem:s29], [sflag:$0x2] =	stream.indirect.gather [hbm4b:s9+s17], $0x1, s25, s17, $0xb8;
	[tilespmem:$0x12610] =	vst v63  }
0x68: {  	s30 =	sadd.s32 $0x7000, s24  }
0x69: {  	[tilespmem:s30], [sflag:$0x2] =	stream.indirect.gather [hbm4b:s10+s17], $0x1, s25, s17, $0xb8;
	[tilespmem:$0x12610] =	vst v63  }
0x6a: {  	s28 =	sadd.s32 $0x3000, s24;
	s29 =	sadd.s32 $0x9000, s24  }
0x6b: {  	[tilespmem:s29], [sflag:$0x2] =	stream.indirect.gather [hbm4b:s11+s17], $0x1, s28, s17, $0xb8;
	[tilespmem:$0x12610] =	vst v63  }
0x6c: {  	s30 =	sadd.s32 $0xB000, s24  }
0x6d: {  	[tilespmem:s30], [sflag:$0x2] =	stream.indirect.gather [hbm4b:s12+s17], $0x1, s28, s17, $0xb8;
	[tilespmem:$0x12610] =	vst v63  }
0x6e: {  	_ =	swait.ge [sflag:s18], $0x80  }
0x6f: {  	[sflag:s18] =	ssyncset.done $0x0  }
0x70: {  	[sflag:s18] =	ssyncadd.s32 $0xFFFFFF80  }
0x71: {  	_ =	swait.ge [sflag:s18], $0x80  }
0x72: {  	[sflag:s18] =	ssyncset.done $0x0  }
0x73: {  	[sflag:s18] =	ssyncadd.s32 $0xFFFFFF80  }
0x74: {  	_ =	swait.ge [sflag:s18], $0x80  }
0x75: {  	[sflag:s18] =	ssyncset.done $0x0  }
0x76: {  	[sflag:s18] =	ssyncadd.s32 $0xFFFFFF80  }
0x77: {  	_ =	swait.ge [sflag:s18], $0x80  }
0x78: {  	[sflag:s18] =	ssyncset.done $0x0  }
0x79: {  	s24 =	simm.s32 $0x0;
	[sflag:s18] =	ssyncadd.s32 $0xFFFFFF80  }
0x7a: {  	v2 =	vld [tilespmem:s24+$0xA070]  }
0x7b: {  	v0 =	vld [tilespmem:s24+$0xA000]  }
0x7c: {  	v1 =	vld [tilespmem:s24+$0xA050]  }
0x7d: {  	v3 =	vld [tilespmem:s24+$0x8070]  }
0x7e: {  	v5 =	vld [tilespmem:s24+$0xA040]  }
0x7f: {  	v4 =	vld [tilespmem:s24+$0xA020]  }
.LBB2_6:
0x80: {  	p0 =	sne.s32 s23, $0x3E00;
	v6 =	vld [tilespmem:s24+$0xA060];
	s25 =	smov.u32 s23;
	s23 =	sadd.s32 $0x200, s23  }
0x81: {  	v7 =	vld [tilespmem:s24+$0x8030]  }
0x82: {  	v8 =	vld [tilespmem:s24+$0xA010]  }
0x83: {  	v9 =	vld [tilespmem:s24+$0x8060]  }
0x84: {  	v10 =	vld [tilespmem:s24+$0x4000]  }
0x85: {  	v11 =	vld [tilespmem:s24+$0x8050]  }
0x86: {  	v12 =	vld [tilespmem:s24+$0x8040]  }
0x87: {  	v13 =	vld [tilespmem:s24+$0xA030]  }
0x88: {  	v14 =	vld [tilespmem:s24+$0x8020]  }
0x89: {  	v15 =	vld [tilespmem:s24+$0x8010]  }
0x8a: {  	v16 =	vld [tilespmem:s24+$0x6020]  }
0x8b: {  	v17 =	vld [tilespmem:s24+$0x6040]  }
0x8c: {  	v18 =	vld [tilespmem:s24+$0x6050]  }
0x8d: {  	v19 =	vld [tilespmem:s24+$0x6010]  }
0x8e: {  	v20 =	vld [tilespmem:s24+$0x4010]  }
0x8f: {  	v4 =	vmul.f32 v4, v16;
	v16 =	vld [tilespmem:s24+$0x6070]  }
0x90: {  	v5 =	vmul.f32 v5, v17;
	v17 =	vld [tilespmem:s24+$0x4060]  }
0x91: {  	v1 =	vmul.f32 v1, v18;
	v18 =	vld [tilespmem:s24+$0x4070]  }
0x92: {  	v8 =	vmul.f32 v8, v19;
	v19 =	vld [tilespmem:s24+$0x4040]  }
0x93: {  	v21 =	vld [tilespmem:s24+$0x4030]  }
0x94: {  	v15 =	vmul.f32 v15, v20;
	v20 =	vld [tilespmem:s24+$0x6060]  }
0x95: {  	v2 =	vmul.f32 v2, v16;
	v22 =	vld [tilespmem:s24+$0x6000]  }
0x96: {  	v8 =	vadd.f32 v8, v15;
	v9 =	vmul.f32 v9, v17;
	v16 =	vld [tilespmem:s24+$0x8000];
	v3 =	vmul.f32 v3, v18  }
0x97: {  	v15 =	vld [tilespmem:s24+$0x4020]  }
0x98: {  	v12 =	vmul.f32 v12, v19;
	[tilespmem:s24+$0xC410] =	vst v8;
	v8 =	vld [tilespmem:s24+$0x6030];
	v2 =	vadd.f32 v2, v3  }
0x99: {  	v3 =	vmul.f32 v7, v21;
	v7 =	vld [tilespmem:s24+$0x4050];
	v6 =	vmul.f32 v6, v20  }
0x9a: {  	v5 =	vadd.f32 v5, v12;
	v0 =	vmul.f32 v0, v22;
	[tilespmem:s24+$0xC470] =	vst v2  }
0x9b: {  	v2 =	vmul.f32 v16, v10;
	v6 =	vadd.f32 v6, v9  }
0x9c: {  	v9 =	vmul.f32 v14, v15;
	[tilespmem:s24+$0xC440] =	vst v5  }
0x9d: {  	v0 =	vadd.f32 v0, v2;
	v2 =	vmul.f32 v13, v8;
	[tilespmem:s24+$0xC460] =	vst v6  }
0x9e: {  	v4 =	vadd.f32 v4, v9;
	v5 =	vmul.f32 v11, v7  }
0x9f: {  	[tilespmem:s24+$0xC400] =	vst v0;
	v0 =	vadd.f32 v2, v3  }
0xa0: {  	[tilespmem:s24+$0xC420] =	vst v4;
	v1 =	vadd.f32 v1, v5  }
0xa1: {  	[tilespmem:s24+$0xC430] =	vst v0  }
0xa2: {  	[tilespmem:s24+$0xC450] =	vst v1  }
0xa3: {  	_ =	swait.ge [sflag:s18], $0x80  }
0xa4: {  	[sflag:s18] =	ssyncset.done $0x0  }
0xa5: {  	[sflag:s18] =	ssyncadd.s32 $0xFFFFFF80  }
0xa6: {  	_ =	swait.ge [sflag:s18], $0x80  }
0xa7: {  	[sflag:s18] =	ssyncset.done $0x0  }
0xa8: {  	[sflag:s18] =	ssyncadd.s32 $0xFFFFFF80  }
0xa9: {  	_ =	swait.ge [sflag:s18], $0x80  }
0xaa: {  	[sflag:s18] =	ssyncset.done $0x0  }
0xab: {  	[sflag:s18] =	ssyncadd.s32 $0xFFFFFF80  }
0xac: {  	_ =	swait.ge [sflag:s18], $0x80  }
0xad: {  	[sflag:s18] =	ssyncset.done $0x0  }
0xae: {  	s24 =	sshra.s32 s25, $0x2;
	[sflag:s18] =	ssyncadd.s32 $0xFFFFFF80  }
0xaf: {  	v2 =	vld [tilespmem:s24+$0xA070]  }
.Ltmp2:
0xb0: {  	v0 =	vld [tilespmem:s24+$0xA000];
	(pc) =	sbr.rel @p0 .LBB2_6-.Ltmp2, $4  }
0xb1: {  	v1 =	vld [tilespmem:s24+$0xA050]  }
0xb2: {  	v3 =	vld [tilespmem:s24+$0x8070]  }
0xb3: {  	v5 =	vld [tilespmem:s24+$0xA040]  }
0xb4: {  	v4 =	vld [tilespmem:s24+$0xA020]  }
0xb5: {  	v6 =	vld [tilespmem:s24+$0xA060]  }
0xb6: {  	v7 =	vld [tilespmem:s24+$0x8030]  }
0xb7: {  	v8 =	vld [tilespmem:s24+$0xA010]  }
0xb8: {  	v9 =	vld [tilespmem:s24+$0x8060]  }
0xb9: {  	v10 =	vld [tilespmem:s24+$0x4000]  }
0xba: {  	v11 =	vld [tilespmem:s24+$0x8050]  }
0xbb: {  	v12 =	vld [tilespmem:s24+$0x8040]  }
0xbc: {  	v13 =	vld [tilespmem:s24+$0xA030]  }
0xbd: {  	v14 =	vld [tilespmem:s24+$0x8020]  }
0xbe: {  	v15 =	vld [tilespmem:s24+$0x8010]  }
0xbf: {  	v16 =	vld [tilespmem:s24+$0x6020]  }
0xc0: {  	v17 =	vld [tilespmem:s24+$0x6040]  }
0xc1: {  	v18 =	vld [tilespmem:s24+$0x6050]  }
0xc2: {  	v19 =	vld [tilespmem:s24+$0x6010]  }
0xc3: {  	v20 =	vld [tilespmem:s24+$0x4010]  }
0xc4: {  	v21 =	vld [tilespmem:s24+$0x6070]  }
0xc5: {  	v22 =	vld [tilespmem:s24+$0x4060]  }
0xc6: {  	v23 =	vld [tilespmem:s24+$0x4070]  }
0xc7: {  	v24 =	vld [tilespmem:s24+$0x4040]  }
0xc8: {  	v25 =	vld [tilespmem:s24+$0x4030]  }
0xc9: {  	v59 =	vld [tilespmem:s24+$0x6060]  }
0xca: {  	v60 =	vld [tilespmem:s24+$0x6000]  }
0xcb: {  	v26 =	vld [tilespmem:s24+$0x8000]  }
0xcc: {  	v61 =	vld [tilespmem:s24+$0x4020];
	v8 =	vmul.f32 v8, v19;
	v15 =	vmul.f32 v15, v20  }
0xcd: {  	v62 =	vld [tilespmem:s24+$0x6030];
	v2 =	vmul.f32 v2, v21;
	v3 =	vmul.f32 v3, v23  }
0xce: {  	v63 =	vld [tilespmem:s24+$0x4050];
	v5 =	vmul.f32 v5, v17;
	v12 =	vmul.f32 v12, v24;
	v8 =	vadd.f32 v8, v15  }
0xcf: {  	v9 =	vmul.f32 v9, v22;
	v2 =	vadd.f32 v2, v3;
	v3 =	vmul.f32 v6, v59  }
0xd0: {  	v0 =	vmul.f32 v0, v60;
	v5 =	vadd.f32 v5, v12;
	v6 =	vmul.f32 v26, v10;
	[tilespmem:s24+$0xC410] =	vst v8  }
0xd1: {  	v4 =	vmul.f32 v4, v16;
	[tilespmem:s24+$0xC470] =	vst v2;
	v2 =	vadd.f32 v3, v9;
	v3 =	vmul.f32 v14, v61  }
0xd2: {  	v7 =	vmul.f32 v7, v25;
	[tilespmem:s24+$0xC440] =	vst v5;
	v0 =	vadd.f32 v0, v6;
	v5 =	vmul.f32 v13, v62  }
0xd3: {  	v1 =	vmul.f32 v1, v18;
	[tilespmem:s24+$0xC460] =	vst v2;
	v2 =	vadd.f32 v4, v3;
	v3 =	vmul.f32 v11, v63  }
0xd4: {  	[tilespmem:s24+$0xC400] =	vst v0;
	v0 =	vadd.f32 v5, v7  }
0xd5: {  	[tilespmem:s24+$0xC420] =	vst v2;
	v1 =	vadd.f32 v1, v3  }
0xd6: {  	[tilespmem:s24+$0xC430] =	vst v0  }
0xd7: {  	[tilespmem:s24+$0xC450] =	vst v1  }
0xd8: {  	_ =	swait.ge [sflag:s19], $0x80  }
0xd9: {  	[sflag:s19] =	ssyncset.done $0x0  }
0xda: {  	[sflag:s19] =	ssyncadd.s32 $0xFFFFFF80  }
0xdb: {  	_ =	swait.ge [sflag:s19], $0x80  }
0xdc: {  	[sflag:s19] =	ssyncset.done $0x0  }
0xdd: {  	[sflag:s19] =	ssyncadd.s32 $0xFFFFFF80  }
0xde: {  	_ =	swait.ge [sflag:s19], $0x80  }
0xdf: {  	[sflag:s19] =	ssyncset.done $0x0  }
0xe0: {  	[sflag:s19] =	ssyncadd.s32 $0xFFFFFF80  }
0xe1: {  	_ =	swait.ge [sflag:s19], $0x80  }
0xe2: {  	[sflag:s19] =	ssyncset.done $0x0  }
0xe3: {  	s23 =	simm.s32 $0x0;
	[sflag:s19] =	ssyncadd.s32 $0xFFFFFF80  }
0xe4: {  	v2 =	vld [tilespmem:s23+$0xB070]  }
0xe5: {  	v0 =	vld [tilespmem:s23+$0xB000]  }
0xe6: {  	v1 =	vld [tilespmem:s23+$0xB050]  }
0xe7: {  	v3 =	vld [tilespmem:s23+$0x9070]  }
0xe8: {  	v5 =	vld [tilespmem:s23+$0xB040]  }
0xe9: {  	s24 =	simm.s32 $0x200;
	v4 =	vld [tilespmem:s23+$0xB020]  }
.LBB2_8:
0xea: {  	p0 =	sne.s32 s24, $0x3E00;
	v6 =	vld [tilespmem:s23+$0xB060];
	s25 =	smov.u32 s24;
	s24 =	sadd.s32 $0x200, s24  }
0xeb: {  	v7 =	vld [tilespmem:s23+$0x9030]  }
0xec: {  	v8 =	vld [tilespmem:s23+$0xB010]  }
0xed: {  	v9 =	vld [tilespmem:s23+$0x9060]  }
0xee: {  	v10 =	vld [tilespmem:s23+$0x5000]  }
0xef: {  	v11 =	vld [tilespmem:s23+$0x9050]  }
0xf0: {  	v12 =	vld [tilespmem:s23+$0x9040]  }
0xf1: {  	v13 =	vld [tilespmem:s23+$0xB030]  }
0xf2: {  	v14 =	vld [tilespmem:s23+$0x9020]  }
0xf3: {  	v15 =	vld [tilespmem:s23+$0x9010]  }
0xf4: {  	v16 =	vld [tilespmem:s23+$0x7020]  }
0xf5: {  	v17 =	vld [tilespmem:s23+$0x7040]  }
0xf6: {  	v18 =	vld [tilespmem:s23+$0x7050]  }
0xf7: {  	v19 =	vld [tilespmem:s23+$0x7010]  }
0xf8: {  	v20 =	vld [tilespmem:s23+$0x5010]  }
0xf9: {  	v4 =	vmul.f32 v4, v16;
	v16 =	vld [tilespmem:s23+$0x7070]  }
0xfa: {  	v5 =	vmul.f32 v5, v17;
	v17 =	vld [tilespmem:s23+$0x5060]  }
0xfb: {  	v1 =	vmul.f32 v1, v18;
	v18 =	vld [tilespmem:s23+$0x5070]  }
0xfc: {  	v8 =	vmul.f32 v8, v19;
	v19 =	vld [tilespmem:s23+$0x5040]  }
0xfd: {  	v21 =	vld [tilespmem:s23+$0x5030]  }
0xfe: {  	v15 =	vmul.f32 v15, v20;
	v20 =	vld [tilespmem:s23+$0x7060]  }
0xff: {  	v2 =	vmul.f32 v2, v16;
	v22 =	vld [tilespmem:s23+$0x7000]  }
0x100: {  	v8 =	vadd.f32 v8, v15;
	v9 =	vmul.f32 v9, v17;
	v16 =	vld [tilespmem:s23+$0x9000];
	v3 =	vmul.f32 v3, v18  }
0x101: {  	v15 =	vld [tilespmem:s23+$0x5020]  }
0x102: {  	v12 =	vmul.f32 v12, v19;
	[tilespmem:s23+$0xD410] =	vst v8;
	v8 =	vld [tilespmem:s23+$0x7030];
	v2 =	vadd.f32 v2, v3  }
0x103: {  	v3 =	vmul.f32 v7, v21;
	v7 =	vld [tilespmem:s23+$0x5050];
	v6 =	vmul.f32 v6, v20  }
0x104: {  	v5 =	vadd.f32 v5, v12;
	v0 =	vmul.f32 v0, v22;
	[tilespmem:s23+$0xD470] =	vst v2  }
0x105: {  	v2 =	vmul.f32 v16, v10;
	v6 =	vadd.f32 v6, v9  }
0x106: {  	v9 =	vmul.f32 v14, v15;
	[tilespmem:s23+$0xD440] =	vst v5  }
0x107: {  	v0 =	vadd.f32 v0, v2;
	v2 =	vmul.f32 v13, v8;
	[tilespmem:s23+$0xD460] =	vst v6  }
0x108: {  	v4 =	vadd.f32 v4, v9;
	v5 =	vmul.f32 v11, v7  }
0x109: {  	[tilespmem:s23+$0xD400] =	vst v0;
	v0 =	vadd.f32 v2, v3  }
0x10a: {  	[tilespmem:s23+$0xD420] =	vst v4;
	v1 =	vadd.f32 v1, v5  }
0x10b: {  	[tilespmem:s23+$0xD430] =	vst v0  }
0x10c: {  	[tilespmem:s23+$0xD450] =	vst v1  }
0x10d: {  	_ =	swait.ge [sflag:s19], $0x80  }
0x10e: {  	[sflag:s19] =	ssyncset.done $0x0  }
0x10f: {  	[sflag:s19] =	ssyncadd.s32 $0xFFFFFF80  }
0x110: {  	_ =	swait.ge [sflag:s19], $0x80  }
0x111: {  	[sflag:s19] =	ssyncset.done $0x0  }
0x112: {  	[sflag:s19] =	ssyncadd.s32 $0xFFFFFF80  }
0x113: {  	_ =	swait.ge [sflag:s19], $0x80  }
0x114: {  	[sflag:s19] =	ssyncset.done $0x0  }
0x115: {  	[sflag:s19] =	ssyncadd.s32 $0xFFFFFF80  }
0x116: {  	_ =	swait.ge [sflag:s19], $0x80  }
0x117: {  	[sflag:s19] =	ssyncset.done $0x0  }
0x118: {  	s23 =	sshra.s32 s25, $0x2;
	[sflag:s19] =	ssyncadd.s32 $0xFFFFFF80  }
0x119: {  	v2 =	vld [tilespmem:s23+$0xB070]  }
.Ltmp3:
0x11a: {  	v0 =	vld [tilespmem:s23+$0xB000];
	(pc) =	sbr.rel @p0 .LBB2_8-.Ltmp3, $4  }
0x11b: {  	v1 =	vld [tilespmem:s23+$0xB050]  }
0x11c: {  	v3 =	vld [tilespmem:s23+$0x9070]  }
0x11d: {  	v5 =	vld [tilespmem:s23+$0xB040]  }
0x11e: {  	v4 =	vld [tilespmem:s23+$0xB020]  }
0x11f: {  	v6 =	vld [tilespmem:s23+$0xB060]  }
0x120: {  	v7 =	vld [tilespmem:s23+$0x9030]  }
0x121: {  	v8 =	vld [tilespmem:s23+$0xB010]  }
0x122: {  	v9 =	vld [tilespmem:s23+$0x9060]  }
0x123: {  	v10 =	vld [tilespmem:s23+$0x5000]  }
0x124: {  	v11 =	vld [tilespmem:s23+$0x9050]  }
0x125: {  	v12 =	vld [tilespmem:s23+$0x9040]  }
0x126: {  	v13 =	vld [tilespmem:s23+$0xB030]  }
0x127: {  	v14 =	vld [tilespmem:s23+$0x9020]  }
0x128: {  	v15 =	vld [tilespmem:s23+$0x9010]  }
0x129: {  	v16 =	vld [tilespmem:s23+$0x7020]  }
0x12a: {  	v17 =	vld [tilespmem:s23+$0x7040]  }
0x12b: {  	v18 =	vld [tilespmem:s23+$0x7050]  }
0x12c: {  	v19 =	vld [tilespmem:s23+$0x7010]  }
0x12d: {  	v20 =	vld [tilespmem:s23+$0x5010]  }
0x12e: {  	v21 =	vld [tilespmem:s23+$0x7070]  }
0x12f: {  	v22 =	vld [tilespmem:s23+$0x5060]  }
0x130: {  	v23 =	vld [tilespmem:s23+$0x5070]  }
0x131: {  	v24 =	vld [tilespmem:s23+$0x5040]  }
0x132: {  	v59 =	vld [tilespmem:s23+$0x7060]  }
0x133: {  	v60 =	vld [tilespmem:s23+$0x7000]  }
0x134: {  	v26 =	vld [tilespmem:s23+$0x9000];
	v8 =	vmul.f32 v8, v19;
	v15 =	vmul.f32 v15, v20  }
0x135: {  	v61 =	vld [tilespmem:s23+$0x5020]  }
0x136: {  	v25 =	vld [tilespmem:s23+$0x5030];
	v2 =	vmul.f32 v2, v21;
	v3 =	vmul.f32 v3, v23;
	v8 =	vadd.f32 v8, v15  }
0x137: {  	v62 =	vld [tilespmem:s23+$0x5050];
	v5 =	vmul.f32 v5, v17;
	v12 =	vmul.f32 v12, v24  }
0x138: {  	v9 =	vmul.f32 v9, v22;
	v2 =	vadd.f32 v2, v3;
	v3 =	vmul.f32 v6, v59;
	[tilespmem:s23+$0xD410] =	vst v8;
	v8 =	vld [tilespmem:s23+$0x7030]  }
0x139: {  	v0 =	vmul.f32 v0, v60;
	v4 =	vmul.f32 v4, v16  }
0x13a: {  	v6 =	vmul.f32 v26, v10;
	[tilespmem:s23+$0xD470] =	vst v2;
	v2 =	vadd.f32 v3, v9;
	v3 =	vmul.f32 v14, v61  }
0x13b: {  	v1 =	vmul.f32 v1, v18;
	v5 =	vadd.f32 v5, v12  }
0x13c: {  	v0 =	vadd.f32 v0, v6;
	[tilespmem:s23+$0xD460] =	vst v2;
	v2 =	vadd.f32 v4, v3;
	v3 =	vmul.f32 v11, v62  }
0x13d: {  	v7 =	vmul.f32 v7, v25;
	[tilespmem:s23+$0xD440] =	vst v5;
	v5 =	vmul.f32 v13, v8  }
0x13e: {  	[tilespmem:s23+$0xD400] =	vst v0;
	v1 =	vadd.f32 v1, v3  }
0x13f: {  	[tilespmem:s23+$0xD420] =	vst v2;
	v0 =	vadd.f32 v5, v7  }
0x140: {  	[tilespmem:s23+$0xD450] =	vst v1  }
0x141: {  	s30 =	rddreg [dreg:$0x12];
	s24 =	simm.s32 $0xC400;
	[tilespmem:s23+$0xD430] =	vst v0  }
0x142: {  	[spmem:s30] =	stream.linear.scatter [tilespmem:s24], [sflag:$0x4], $0x2000, $0x38;
	[tilespmem:$0x12610] =	vst v63  }
0x143: {  	_ =	swait.ge [sflag:s16], $0x2000  }
0x144: {  	[sflag:s16] =	ssyncset.done $0x0  }
0x145: {  	[sflag:s16] =	ssyncadd.s32 $0xFFFFE000  }
0x146: {  	s25 =	simm.s32 $0xE400;
	[bflag:$0x0] =	sbarrier.arrive $0xFFFF  }
0x147: {  	[tilespmem:s25], [sflag:$0x4] =	stream.linear.gather [spmem:s21], $0x200, $0x38;
	[tilespmem:$0x12610] =	vst v63  }
0x148: {  	_ =	swait.ge [sflag:s16], $0x200  }
0x149: {  	[sflag:s16] =	ssyncset.done $0x0  }
0x14a: {  	s28 =	simm.s32 $0xE600;
	s26 =	rddreg [dreg:$0x13];
	[sflag:s16] =	ssyncadd.s32 $0xFFFFFE00  }
0x14b: {  	[tilespmem:s28], [sflag:$0x4] =	stream.linear.gather [spmem:s26], $0x200, $0x38;
	[tilespmem:$0x12610] =	vst v63  }
0x14c: {  	_ =	swait.ge [sflag:s16], $0x200  }
0x14d: {  	[sflag:s16] =	ssyncset.done $0x0  }
0x14e: {  	s30 =	simm.s32 $0xE800;
	s29 =	rddreg [dreg:$0x15];
	[sflag:s16] =	ssyncadd.s32 $0xFFFFFE00  }
0x14f: {  	[tilespmem:s30], [sflag:$0x4] =	stream.linear.gather [spmem:s29], $0x200, $0x38;
	[tilespmem:$0x12610] =	vst v63  }
0x150: {  	_ =	swait.ge [sflag:s16], $0x200  }
0x151: {  	[sflag:s16] =	ssyncset.done $0x0  }
0x152: {  	s25 =	simm.s32 $0xEA00;
	s24 =	rddreg [dreg:$0x17];
	[sflag:s16] =	ssyncadd.s32 $0xFFFFFE00  }
0x153: {  	[tilespmem:s25], [sflag:$0x4] =	stream.linear.gather [spmem:s24], $0x200, $0x38;
	[tilespmem:$0x12610] =	vst v63  }
0x154: {  	_ =	swait.ge [sflag:s16], $0x200  }
0x155: {  	[sflag:s16] =	ssyncset.done $0x0  }
0x156: {  	s28 =	simm.s32 $0xEC00;
	s26 =	rddreg [dreg:$0x18];
	[sflag:s16] =	ssyncadd.s32 $0xFFFFFE00  }
0x157: {  	[tilespmem:s28], [sflag:$0x4] =	stream.linear.gather [spmem:s26], $0x200, $0x38;
	[tilespmem:$0x12610] =	vst v63  }
0x158: {  	_ =	swait.ge [sflag:s16], $0x200  }
0x159: {  	[sflag:s16] =	ssyncset.done $0x0  }
0x15a: {  	s30 =	simm.s32 $0xEE00;
	s29 =	rddreg [dreg:$0x19];
	[sflag:s16] =	ssyncadd.s32 $0xFFFFFE00  }
0x15b: {  	[tilespmem:s30], [sflag:$0x4] =	stream.linear.gather [spmem:s29], $0x200, $0x38;
	[tilespmem:$0x12610] =	vst v63  }
0x15c: {  	_ =	swait.ge [sflag:s16], $0x200  }
0x15d: {  	[sflag:s16] =	ssyncset.done $0x0  }
0x15e: {  	s26 =	simm.s32 $0xF000;
	s25 =	rddreg [dreg:$0x1a];
	[sflag:s16] =	ssyncadd.s32 $0xFFFFFE00  }
0x15f: {  	[tilespmem:s26], [sflag:$0x4] =	stream.linear.gather [spmem:s25], $0x200, $0x38;
	[tilespmem:$0x12610] =	vst v63  }
0x160: {  	_ =	swait.ge [sflag:s16], $0x200  }
0x161: {  	[sflag:s16] =	ssyncset.done $0x0  }
0x162: {  	s28 =	simm.s32 $0xF200;
	[sflag:s16] =	ssyncadd.s32 $0xFFFFFE00  }
0x163: {  	[tilespmem:s28], [sflag:$0x4] =	stream.linear.gather [spmem:s31], $0x200, $0x38;
	[tilespmem:$0x12610] =	vst v63  }
0x164: {  	_ =	swait.ge [sflag:s16], $0x200  }
0x165: {  	[sflag:s16] =	ssyncset.done $0x0  }
0x166: {  	s29 =	simm.s32 $0xF400;
	[sflag:s16] =	ssyncadd.s32 $0xFFFFFE00  }
0x167: {  	[tilespmem:s29], [sflag:$0x4] =	stream.linear.gather [spmem:s0], $0x200, $0x38;
	[tilespmem:$0x12610] =	vst v63  }
0x168: {  	_ =	swait.ge [sflag:s16], $0x200  }
0x169: {  	[sflag:s16] =	ssyncset.done $0x0  }
0x16a: {  	s30 =	simm.s32 $0xF600;
	[sflag:s16] =	ssyncadd.s32 $0xFFFFFE00  }
0x16b: {  	[tilespmem:s30], [sflag:$0x4] =	stream.linear.gather [spmem:s5], $0x200, $0x38;
	[tilespmem:$0x12610] =	vst v63  }
0x16c: {  	_ =	swait.ge [sflag:s16], $0x200  }
0x16d: {  	[sflag:s16] =	ssyncset.done $0x0  }
0x16e: {  	s24 =	simm.s32 $0xF800;
	[sflag:s16] =	ssyncadd.s32 $0xFFFFFE00  }
0x16f: {  	[tilespmem:s24], [sflag:$0x4] =	stream.linear.gather [spmem:s3], $0x200, $0x38;
	[tilespmem:$0x12610] =	vst v63  }
0x170: {  	_ =	swait.ge [sflag:s16], $0x200  }
0x171: {  	[sflag:s16] =	ssyncset.done $0x0  }
0x172: {  	s25 =	simm.s32 $0xFA00;
	[sflag:s16] =	ssyncadd.s32 $0xFFFFFE00  }
0x173: {  	[tilespmem:s25], [sflag:$0x4] =	stream.linear.gather [spmem:s7], $0x200, $0x38;
	[tilespmem:$0x12610] =	vst v63  }
0x174: {  	_ =	swait.ge [sflag:s16], $0x200  }
0x175: {  	[sflag:s16] =	ssyncset.done $0x0  }
0x176: {  	s26 =	simm.s32 $0xFC00;
	[sflag:s16] =	ssyncadd.s32 $0xFFFFFE00  }
0x177: {  	[tilespmem:s26], [sflag:$0x4] =	stream.linear.gather [spmem:s8], $0x200, $0x38;
	[tilespmem:$0x12610] =	vst v63  }
0x178: {  	_ =	swait.ge [sflag:s16], $0x200  }
0x179: {  	[sflag:s16] =	ssyncset.done $0x0  }
0x17a: {  	s28 =	simm.s32 $0xFE00;
	[sflag:s16] =	ssyncadd.s32 $0xFFFFFE00  }
0x17b: {  	[tilespmem:s28], [sflag:$0x4] =	stream.linear.gather [spmem:s13], $0x200, $0x38;
	[tilespmem:$0x12610] =	vst v63  }
0x17c: {  	_ =	swait.ge [sflag:s16], $0x200  }
0x17d: {  	[sflag:s16] =	ssyncset.done $0x0  }
0x17e: {  	s29 =	simm.s32 $0x10000;
	[sflag:s16] =	ssyncadd.s32 $0xFFFFFE00  }
0x17f: {  	[tilespmem:s29], [sflag:$0x4] =	stream.linear.gather [spmem:s14], $0x200, $0x38;
	[tilespmem:$0x12610] =	vst v63  }
0x180: {  	_ =	swait.ge [sflag:s16], $0x200  }
0x181: {  	[sflag:s16] =	ssyncset.done $0x0  }
0x182: {  	s30 =	simm.s32 $0x10200;
	[sflag:s16] =	ssyncadd.s32 $0xFFFFFE00  }
0x183: {  	[tilespmem:s30], [sflag:$0x4] =	stream.linear.gather [spmem:s15], $0x200, $0x38;
	[tilespmem:$0x12610] =	vst v63  }
0x184: {  	_ =	swait.ge [sflag:s16], $0x200  }
0x185: {  	[sflag:s16] =	ssyncset.done $0x0  }
0x186: {  	[sflag:s16] =	ssyncadd.s32 $0xFFFFFE00  }
0x187: {  	_ =	swait.ge [sflag:s20], $0x80  }
0x188: {  	[sflag:s20] =	ssyncset.done $0x0  }
0x189: {  	[sflag:s20] =	ssyncadd.s32 $0xFFFFFF80  }
0x18a: {  	_ =	swait.ge [sflag:s20], $0x80  }
0x18b: {  	[sflag:s20] =	ssyncset.done $0x0  }
0x18c: {  	[sflag:s20] =	ssyncadd.s32 $0xFFFFFF80  }
0x18d: {  	_ =	swait.ge [sflag:s20], $0x80  }
0x18e: {  	[sflag:s20] =	ssyncset.done $0x0  }
0x18f: {  	[sflag:s20] =	ssyncadd.s32 $0xFFFFFF80  }
0x190: {  	_ =	swait.ge [sflag:s20], $0x80  }
0x191: {  	[sflag:s20] =	ssyncset.done $0x0  }
0x192: {  	[sflag:s20] =	ssyncadd.s32 $0xFFFFFF80  }
0x193: {  	_ =	swait.ge [sflag:s20], $0x80  }
0x194: {  	[sflag:s20] =	ssyncset.done $0x0  }
0x195: {  	[sflag:s20] =	ssyncadd.s32 $0xFFFFFF80  }
0x196: {  	_ =	swait.ge [sflag:s20], $0x80  }
0x197: {  	[sflag:s20] =	ssyncset.done $0x0  }
0x198: {  	[sflag:s20] =	ssyncadd.s32 $0xFFFFFF80  }
0x199: {  	_ =	swait.ge [sflag:s20], $0x80  }
0x19a: {  	[sflag:s20] =	ssyncset.done $0x0  }
0x19b: {  	[sflag:s20] =	ssyncadd.s32 $0xFFFFFF80  }
0x19c: {  	_ =	swait.ge [sflag:s20], $0x80  }
0x19d: {  	[sflag:s20] =	ssyncset.done $0x0  }
0x19e: {  	s24 =	simm.s32 $0x0;
	[sflag:s20] =	ssyncadd.s32 $0xFFFFFF80  }
0x19f: {  	v0 =	vld [tilespmem:s24+$0xE400]  }
0x1a0: {  	v1 =	vld [tilespmem:s24+$0xE600];
	_ =	sdelay $0x1  }
0x1a1: {  	v2 =	vld [tilespmem:s24+$0xE800];
	_ =	sdelay $0x1  }
0x1a2: {  	v3 =	vld [tilespmem:s24+$0xEA00]  }
0x1a3: {  	v0 =	vadd.f32 v1, v0  }
0x1a4: {  	v1 =	vld [tilespmem:s24+$0xEC00]  }
0x1a5: {  	v0 =	vadd.f32 v2, v0  }
0x1a6: {  	v2 =	vld [tilespmem:s24+$0xEE00]  }
0x1a7: {  	v0 =	vadd.f32 v3, v0  }
0x1a8: {  	v3 =	vld [tilespmem:s24+$0xF000]  }
0x1a9: {  	v1 =	vadd.f32 v1, v0  }
0x1aa: {  	v4 =	vld [tilespmem:s24+$0xF200]  }
0x1ab: {  	v5 =	vld [tilespmem:s24+$0xF600];
	v1 =	vadd.f32 v2, v1  }
0x1ac: {  	s23 =	simm.s32 $0x10;
	v2 =	vld [tilespmem:s24+$0xF400]  }
0x1ad: {  	v6 =	vld [tilespmem:s23+$0xE400];
	v1 =	vadd.f32 v3, v1  }
0x1ae: {  	v7 =	vld [tilespmem:s23+$0xE800]  }
0x1af: {  	v3 =	vld [tilespmem:s24+$0xF800];
	v1 =	vadd.f32 v4, v1  }
0x1b0: {  	v4 =	vld [tilespmem:s23+$0xE600]  }
0x1b1: {  	v8 =	vld [tilespmem:s23+$0xEA00];
	v1 =	vadd.f32 v2, v1  }
0x1b2: {  	v2 =	vld [tilespmem:s24+$0xFA00]  }
0x1b3: {  	v63 =	vld [tilespmem:s24+$0xC000];
	v1 =	vadd.f32 v5, v1  }
0x1b4: {  	v5 =	vld [tilespmem:s24+$0xFC00]  }
0x1b5: {  	v4 =	vadd.f32 v4, v6;
	v6 =	vld [tilespmem:s23+$0xEC00];
	v1 =	vadd.f32 v3, v1  }
0x1b6: {  	v3 =	vld [tilespmem:s24+$0xFE00]  }
0x1b7: {  	v4 =	vadd.f32 v7, v4;
	v7 =	vld [tilespmem:s23+$0xEE00];
	v1 =	vadd.f32 v2, v1  }
0x1b8: {  	v2 =	vld [tilespmem:s24+$0x10000]  }
0x1b9: {  	v4 =	vadd.f32 v8, v4;
	v8 =	vld [tilespmem:s23+$0xF000];
	v1 =	vadd.f32 v5, v1  }
0x1ba: {  	v5 =	vld [tilespmem:s24+$0x10200]  }
0x1bb: {  	v0 =	vld [tilespmem:$0x10400];
	v4 =	vadd.f32 v6, v4;
	v1 =	vadd.f32 v3, v1  }
0x1bc: {  	v6 =	vld [tilespmem:s23+$0xF200]  }
0x1bd: {  	v3 =	vadd.f32 v7, v4;
	v4 =	vld [tilespmem:s23+$0xF400];
	v7 =	vadd.f32 v2, v1  }
0x1be: {  	v2 =	vld [tilespmem:s24+$0xC200]  }
0x1bf: {  	v1 =	vld [tilespmem:s23+$0xF800];
	v8 =	vadd.f32 v8, v3;
	v7 =	vadd.f32 v5, v7  }
0x1c0: {  	s25 =	simm.s32 $0x20;
	v5 =	vld [tilespmem:s23+$0xF600]  }
0x1c1: {  	s26 =	simm.s32 $0xC0;
	v3 =	vld [tilespmem:s25+$0xE400];
	v6 =	vadd.f32 v6, v8;
	v7 =	vadd.f32 v63, v7  }
.LBB2_10:
0x1c2: {  	p0 =	sne.s32 s26, $0x7C0;
	v8 =	vld [tilespmem:s25+$0xE600]  }
0x1c3: {  	v4 =	vadd.f32 v4, v6;
	v6 =	vld [tilespmem:s23+$0xFA00];
	v2 =	vadd.f32 v2, v7  }
0x1c4: {  	v7 =	vld [tilespmem:s25+$0xE800]  }
0x1c5: {  	v4 =	vadd.f32 v5, v4;
	v5 =	vld [tilespmem:s23+$0xFC00];
	v2 =	vadd.f32 v2, v0  }
0x1c6: {  	v9 =	vld [tilespmem:s25+$0xEA00]  }
0x1c7: {  	v3 =	vadd.f32 v8, v3;
	v1 =	vadd.f32 v1, v4;
	v4 =	vld [tilespmem:s23+$0xFE00];
	[tilespmem:s24+$0x10410] =	vst v2;
	s24 =	smov.u32 s23;
	s23 =	smov.u32 s25  }
0x1c8: {  	v2 =	vld [tilespmem:s23+$0xEC00]  }
0x1c9: {  	v3 =	vadd.f32 v7, v3;
	v1 =	vadd.f32 v6, v1;
	v6 =	vld [tilespmem:s24+$0x10000]  }
0x1ca: {  	v7 =	vld [tilespmem:s23+$0xEE00]  }
0x1cb: {  	v3 =	vadd.f32 v9, v3;
	v1 =	vadd.f32 v5, v1;
	v5 =	vld [tilespmem:s24+$0x10200]  }
0x1cc: {  	v8 =	vld [tilespmem:s23+$0xF000]  }
0x1cd: {  	v2 =	vadd.f32 v2, v3;
	v1 =	vadd.f32 v4, v1;
	v9 =	vld [tilespmem:s24+$0xC000]  }
0x1ce: {  	v10 =	vld [tilespmem:s23+$0xF200]  }
.Ltmp4:
0x1cf: {  	v3 =	vadd.f32 v7, v2;
	v6 =	vadd.f32 v6, v1;
	v2 =	vld [tilespmem:s24+$0xC200];
	(pc) =	sbr.rel @p0 .LBB2_10-.Ltmp4, $4  }
0x1d0: {  	v4 =	vld [tilespmem:s23+$0xF400]  }
0x1d1: {  	v7 =	vadd.f32 v8, v3;
	v1 =	vld [tilespmem:s23+$0xF800];
	v8 =	vadd.f32 v5, v6  }
0x1d2: {  	s25 =	sshra.s32 s26, $0x2;
	v5 =	vld [tilespmem:s23+$0xF600]  }
0x1d3: {  	s26 =	sadd.s32 $0x40, s26;
	v3 =	vld [tilespmem:s25+$0xE400];
	v6 =	vadd.f32 v10, v7;
	v7 =	vadd.f32 v9, v8  }
0x1d4: {  	v8 =	vld [tilespmem:s25+$0xE600]  }
0x1d5: {  	v9 =	vld [tilespmem:s23+$0xFA00];
	v2 =	vadd.f32 v2, v7  }
0x1d6: {  	v43 =	vld [tilespmem:s25+$0xE800]  }
0x1d7: {  	v10 =	vld [tilespmem:s23+$0xFC00];
	v4 =	vadd.f32 v4, v6;
	v2 =	vadd.f32 v2, v0  }
0x1d8: {  	v44 =	vld [tilespmem:s25+$0xEA00]  }
0x1d9: {  	v11 =	vld [tilespmem:s23+$0xFE00];
	v4 =	vadd.f32 v5, v4;
	v3 =	vadd.f32 v8, v3;
	[tilespmem:s24+$0x10410] =	vst v2  }
0x1da: {  	v2 =	vld [tilespmem:s25+$0xEC00]  }
0x1db: {  	v1 =	vadd.f32 v1, v4;
	v3 =	vadd.f32 v43, v3  }
0x1dc: {  	v45 =	vld [tilespmem:s25+$0xEE00]  }
0x1dd: {  	v46 =	vld [tilespmem:s23+$0x10000];
	v1 =	vadd.f32 v9, v1;
	v3 =	vadd.f32 v44, v3  }
0x1de: {  	v47 =	vld [tilespmem:s25+$0xF000]  }
0x1df: {  	v48 =	vld [tilespmem:s23+$0x10200];
	v1 =	vadd.f32 v10, v1;
	v2 =	vadd.f32 v2, v3  }
0x1e0: {  	v49 =	vld [tilespmem:s25+$0xF200]  }
0x1e1: {  	v50 =	vld [tilespmem:s23+$0xC000];
	v1 =	vadd.f32 v11, v1;
	v2 =	vadd.f32 v45, v2  }
0x1e2: {  	v51 =	vld [tilespmem:s25+$0xF400]  }
0x1e3: {  	v52 =	vld [tilespmem:s23+$0xC200];
	v1 =	vadd.f32 v46, v1;
	v2 =	vadd.f32 v47, v2  }
0x1e4: {  	v53 =	vld [tilespmem:s25+$0xF600]  }
0x1e5: {  	v1 =	vadd.f32 v48, v1;
	v2 =	vadd.f32 v49, v2  }
0x1e6: {  	v54 =	vld [tilespmem:s25+$0xF800]  }
0x1e7: {  	v1 =	vadd.f32 v50, v1;
	v2 =	vadd.f32 v51, v2  }
0x1e8: {  	v55 =	vld [tilespmem:s25+$0xFA00]  }
0x1e9: {  	v1 =	vadd.f32 v52, v1;
	v2 =	vadd.f32 v53, v2  }
0x1ea: {  	v56 =	vld [tilespmem:s25+$0xFC00]  }
0x1eb: {  	v1 =	vadd.f32 v1, v0;
	v2 =	vadd.f32 v54, v2  }
0x1ec: {  	v57 =	vld [tilespmem:s25+$0xFE00]  }
0x1ed: {  	[tilespmem:s23+$0x10410] =	vst v1;
	v58 =	vadd.f32 v55, v2  }
0x1ee: {  	v59 =	vld [tilespmem:s25+$0x10000]  }
0x1ef: {  	v1 =	vadd.f32 v56, v58  }
0x1f0: {  	v60 =	vld [tilespmem:s25+$0x10200]  }
0x1f1: {  	v1 =	vadd.f32 v57, v1  }
0x1f2: {  	v61 =	vld [tilespmem:s25+$0xC000]  }
0x1f3: {  	v1 =	vadd.f32 v59, v1  }
0x1f4: {  	v62 =	vld [tilespmem:s25+$0xC200]  }
0x1f5: {  	v1 =	vadd.f32 v60, v1;
	_ =	sdelay $0x1  }
0x1f6: {  	v1 =	vadd.f32 v61, v1;
	_ =	sdelay $0x1  }
0x1f7: {  	v1 =	vadd.f32 v62, v1;
	_ =	sdelay $0x1  }
0x1f8: {  	v63 =	vadd.f32 v1, v0;
	_ =	sdelay $0x1  }
0x1f9: {  	s28 =	rddreg [dreg:$0x14];
	s29 =	simm.s32 $0x10410;
	[tilespmem:s25+$0x10410] =	vst v63  }
0x1fa: {  	[hbm4b:s28+s4] =	stream.linear.scatter [tilespmem:s29], [sflag:$0x4], $0x200, $0x38;
	[tilespmem:$0x12610] =	vst v63  }
0x1fb: {  	_ =	swait.ge [sflag:s16], $0x200  }
0x1fc: {  	s22 =	sadd.s32 $0x1, s22;
	s30 =	rddreg [dreg:$0x16]  }
0x1fd: {  	p0 =	sne.s32 s22, s30  }
.Ltmp5:
0x1fe: {  	_ = 	snop;
	(pc) =	sbr.rel @p0 .LBB2_1-.Ltmp5, $3  }
0x1ff: {  	_ =	sdelay $0x1  }
0x200: {  	[sflag:s16] =	ssyncset.done $0x0  }
0x201: {  	[sflag:s16] =	ssyncadd.s32 $0xFFFFFE00  }
0x202: {  	_ =	sfence.sel $0x180000  }
0x203: {  	[bflag:$0x0] =	sbarrier.arrive $0xFFFF  }
0x204: {  	_ =	strace $0x90000047  }
0x205: {  	s0 =	stileid.u32;
	[bflag:$0x2] =	sbarrier.arrive $0xFFFF  }
0x206: {  	p0 =	sne.s32 s0, $0x0;
	s0 =	rddreg [dreg:$0x8]  }
0x207: {  	s0 =	sadd.s32 @!p0 $0x100000, s0  }
0x208: {  	[sflag:s0] =	ssyncadd.tile.s32 @!p0 $0x1;
	_ =	shalt  }
.Lfunc_end2:
_tile_overlayer_lowered:
.L_overlay_start_2:
0x209: {  	(tag) =	ssettag $0x2  }
0x20a: {  	s0 =	rddreg [dreg:$0x0];
	s2 =	stileid.u32  }
0x20b: {  	s1 =	rddreg [dreg:$0x1];
	p0 =	sne.s32 s2, $0x0  }
0x20c: {  	s3 =	rddreg [dreg:$0x2];
	[bflag:$0x3] =	sbarrier.arrive $0xFFFF;
	s2 =	simm.s32 @!p0 $0x1C04  }
0x20d: {  	[timem:s3], [sflag:s2] =	dma.local @!p0 [hbm:s0], s1  }
0x20e: {  	s0 =	simm.s32 @!p0 $0x4  }
0x20f: {  	_ =	swait.ge @!p0 [sflag:s0], s1  }
0x210: {  	s1 =	ssub.s32 @!p0 $0x0, s1;
	[sflag:s0] =	ssyncset.done @!p0 $0x0  }
0x211: {  	[sflag:s0] =	ssyncadd.s32 @!p0 s1  }
0x212: {  	[bflag:$0x3] =	sbarrier.arrive $0xFFFF  }
0x213: {  	_ =	shalt  }

</sc_bundles>
